<compile_context>
chip_gen: v7x
topology: tpu7x:2x2x1
jax: 0.10.2.dev20260603
libtpu: 0.0.44.dev20260713+nightly
codegen_flags: <defaults>
</compile_context>

<pallas_src>
import functools

import jax
import jax.numpy as jnp
from jax import lax
from jax.experimental import pallas as pl
from jax.experimental.pallas import tpu as pltpu
from jax.experimental.pallas import tpu_sc as plsc

_R = 2.0
_T = 1.0

_NC = 2
_NS = 16
_NW = _NC * _NS
_L = 16
_B = 64


def _sc_body(n_chunks, emb_hbm, idx_hbm, out_hbm,
             idx_v, rowbuf, sums_v, outw_v, sem):
    ew = n_chunks * _B
    nj = rowbuf.shape[1] // _L
    wid = lax.axis_index("s") * _NC + lax.axis_index("c")
    base = wid * ew

    pltpu.sync_copy(idx_hbm.at[pl.ds(2 * base, 2 * ew)], idx_v)

    lane15 = lax.iota(jnp.int32, _L) * _L + (_L - 1)

    def chunk_body(c, carry):
        cs = c * _B
        pltpu.async_copy(emb_hbm.at[idx_v.at[pl.ds(2 * cs, 2 * _B)]],
                         rowbuf, sem).wait()

        def edge_body(e, carry2):
            acc = jnp.zeros((_L,), jnp.float32)
            for j in range(nj):
                a = rowbuf[e, pl.ds(j * _L, _L)]
                bb = rowbuf[_B + e, pl.ds(j * _L, _L)]
                diff = a - bb
                acc = acc + diff * diff
            sums_v[pl.ds(e * _L, _L)] = plsc.cumsum(acc)
            return carry2

        lax.fori_loop(0, _B, edge_body, 0, unroll=2)

        def group_body(g, carry2):
            idx = g * (_L * _L) + lane15
            s = plsc.load_gather(sums_v, [idx])
            probs = 1.0 / (jnp.exp((s - _R) * (1.0 / _T)) + 1.0)
            outw_v[pl.ds(cs + g * _L, _L)] = probs
            return carry2

        lax.fori_loop(0, _B // _L, group_body, 0)
        return carry

    lax.fori_loop(0, n_chunks, chunk_body, 0)
    pltpu.sync_copy(outw_v, out_hbm.at[pl.ds(base, ew)])


@jax.jit
def kernel(shower, embeddings, edge_index):
    del shower
    e_total = edge_index.shape[1]
    d = embeddings.shape[1]
    ew = (-(-e_total // _NW) + _B - 1) // _B * _B
    n_chunks = ew // _B
    e_pad = ew * _NW

    src = edge_index[0]
    dst = edge_index[1]
    pad = e_pad - e_total
    if pad:
        zpad = jnp.zeros((pad,), jnp.int32)
        src = jnp.concatenate([src, zpad])
        dst = jnp.concatenate([dst, zpad])

    src_r = src.reshape(_NW * n_chunks, 1, _B)
    dst_r = dst.reshape(_NW * n_chunks, 1, _B)
    merged = jnp.concatenate([src_r, dst_r], axis=1).reshape(2 * e_pad)

    mesh = plsc.VectorSubcoreMesh(core_axis_name="c", subcore_axis_name="s")
    fn = pl.kernel(
        functools.partial(_sc_body, n_chunks),
        out_type=jax.ShapeDtypeStruct((e_pad,), jnp.float32),
        mesh=mesh,
        compiler_params=pltpu.CompilerParams(needs_layout_passes=False),
        scratch_types=[
            pltpu.VMEM((2 * ew,), jnp.int32),
            pltpu.VMEM((2 * _B, d), jnp.float32),
            pltpu.VMEM((_B * _L,), jnp.float32),
            pltpu.VMEM((ew,), jnp.float32),
            pltpu.SemaphoreType.DMA,
        ],
    )
    out = fn(embeddings, merged)
    return out[:e_total]

# --- scband reference (transcript-rebuilt; emitter-appended) ---
"""Pipeline reference for scband-dirac-classifier-9302899163218 (READ-ONLY COPY).

The authoritative reference and input builder live on the scoring server;
editing this copy changes nothing except your own understanding.
"""

import jax, jax.numpy as jnp
import numpy as np

R = 2.0
T = 1.0
C = 1.0

def setup_inputs(seed: int = 0) -> dict:
    key = jax.random.key(seed)
    k1, k2, k3 = jax.random.split(key, 3)
    shower = jax.random.normal(k1, (10000, 256), dtype=jnp.float32)
    embeddings = jax.random.normal(k2, (10000, 256), dtype=jnp.float32)
    edge_index = jax.random.randint(k3, (2, 160000), 0, 10000, dtype=jnp.int32)
    return {"shower": shower, "embeddings": embeddings, "edge_index": edge_index}

def _sqdist_euclidean(x, y, c):
    # Euclidean manifold squared distance; curvature c unused for flat manifold
    d = x - y
    return jnp.sum(d * d, axis=-1)

def _fermi_dirac(sqdist, r, t):
    return 1.0 / (jnp.exp((sqdist - r) / t) + 1.0)

def reference(shower, embeddings, edge_index):
    emb_in = jnp.take(embeddings, edge_index[0], axis=0)
    emb_out = jnp.take(embeddings, edge_index[1], axis=0)
    sqdist = _sqdist_euclidean(emb_in, emb_out, C)
    probs = _fermi_dirac(sqdist, R, T)
    return probs

if __name__ == "__main__":
    import jax
    _d = setup_inputs()
    print(jax.jit(kernel)(*tuple(_d.values())))

</pallas_src>

<mosaic_0001>
#map = affine_map<(d0, d1) -> (0, 0)>
#map1 = affine_map<(d0, d1) -> (0)>
module attributes {stable_mosaic.version = 14 : i64} {
  func.func @_sc_body(%arg0: i32, %arg1: i32, %arg2: memref<10000x256xf32, #tpu.memory_space<hbm>>, %arg3: memref<323584xi32, #tpu.memory_space<hbm>>, %arg4: memref<161792xf32, #tpu.memory_space<hbm>>, %arg5: memref<10112xi32, #tpu.memory_space<vmem>>, %arg6: memref<128x256xf32, #tpu.memory_space<vmem>>, %arg7: memref<1024xf32, #tpu.memory_space<vmem>>, %arg8: memref<5056xf32, #tpu.memory_space<vmem>>, %arg9: memref<!tpu.dma_semaphore, #tpu.memory_space<semaphore_mem>>) attributes {dimension_semantics = [#tpu.dimension_semantics<core_parallel>, #tpu.dimension_semantics<subcore_parallel>], iteration_bounds = array<i64: 2, 16>, scalar_prefetch = 0 : i64, scratch_operands = 5 : i64, tpu.core_type = #tpu.core_type<sc_vector_subcore>, window_params = [{transform_indices = #map}, {transform_indices = #map1}, {transform_indices = #map1}]} {
    %mul3A = arith.constant 2 : i32
    %mul3A_0 = arith.muli %arg1, %mul3A : i32
    %add3A = arith.addi %mul3A_0, %arg0 : i32
    %mul3A_1 = arith.constant 5056 : i32
    %mul3A_2 = arith.muli %add3A, %mul3A_1 : i32
    %mul3A_3 = arith.constant 2 : i32
    %mul3A_4 = arith.muli %mul3A_3, %mul3A_2 : i32
    "tpu.region"() ({
      %run_scoped3A = tpu.sem_alloc : memref<!tpu.dma_semaphore, #tpu.memory_space<semaphore_mem>>
      %dma_start3A = tpu.memref_slice %arg3[%mul3A_4] : memref<323584xi32, #tpu.memory_space<hbm>> -> memref<10112xi32, #tpu.memory_space<hbm>>
      %dma_start3A_16 = tpu.memref_slice %arg3[%mul3A_4] : memref<323584xi32, #tpu.memory_space<hbm>> -> memref<10112xi32, #tpu.memory_space<hbm>>
      tpu.enqueue_dma source(%dma_start3A_16 : memref<10112xi32, #tpu.memory_space<hbm>>) target(%arg5 : memref<10112xi32, #tpu.memory_space<vmem>>) target_semaphore(%run_scoped3A : memref<!tpu.dma_semaphore, #tpu.memory_space<semaphore_mem>>)
      %dma_wait3A = tpu.memref_slice %arg3[%mul3A_4] : memref<323584xi32, #tpu.memory_space<hbm>> -> memref<10112xi32, #tpu.memory_space<hbm>>
      %dma_wait3A_17 = tpu.memref_slice %arg3[%mul3A_4] : memref<323584xi32, #tpu.memory_space<hbm>> -> memref<10112xi32, #tpu.memory_space<hbm>>
      tpu.wait_dma2 semaphore(%run_scoped3A : memref<!tpu.dma_semaphore, #tpu.memory_space<semaphore_mem>>) src(%dma_wait3A_17 : memref<10112xi32, #tpu.memory_space<hbm>>) dst(%arg5 : memref<10112xi32, #tpu.memory_space<vmem>>)
      tpu.yield
    }) : () -> ()
    %iota3A = tpu.iota {dimensions = array<i32: 0>} : vector<16xi32>
    %mul3A_5 = arith.constant 16 : i32
    %mul3A_6 = vector.broadcast %mul3A_5 : i32 to vector<16xi32>
    %mul3A_7 = arith.muli %iota3A, %mul3A_6 : vector<16xi32>
    %add3A_8 = arith.constant 15 : i32
    %add3A_9 = vector.broadcast %add3A_8 : i32 to vector<16xi32>
    %add3A_10 = arith.addi %mul3A_7, %add3A_9 : vector<16xi32>
    %scan3A = arith.constant 0 : i32
    %scan3A_11 = arith.constant 0 : i32
    %scan3A_12 = arith.constant 79 : i32
    %scan3A_13 = arith.addi %scan3A_11, %scan3A_12 : i32
    %scan3A_14 = arith.constant 1 : i32
    scf.for %scan3A_16 = %scan3A_11 to %scan3A_13 step %scan3A_14  : i32 {
      %mul3A_17 = arith.constant 64 : i32
      %mul3A_18 = arith.muli %scan3A_16, %mul3A_17 : i32
      %mul3A_19 = arith.constant 2 : i32
      %mul3A_20 = arith.muli %mul3A_19, %mul3A_18 : i32
      %dma_start3A = tpu.memref_slice %arg5[%mul3A_20] : memref<10112xi32, #tpu.memory_space<vmem>> -> memref<128xi32, #tpu.memory_space<vmem>>
      %dma_start3A_21 = arith.constant 0 : i32
      %dma_start3A_22 = arith.constant 0 : i32
      %dma_start3A_23 = tpu.memref_slice %arg2[%dma_start3A_21, %dma_start3A_22] : memref<10000x256xf32, #tpu.memory_space<hbm>> -> memref<10000x256xf32, #tpu.memory_space<hbm>>
      tpu.enqueue_indirect_dma source(%dma_start3A_23 : memref<10000x256xf32, #tpu.memory_space<hbm>>) target(%arg6 : memref<128x256xf32, #tpu.memory_space<vmem>>) offsets(%dma_start3A : memref<128xi32, #tpu.memory_space<vmem>>) semaphore(%arg9 : memref<!tpu.dma_semaphore, #tpu.memory_space<semaphore_mem>>)
      %dma_wait3A = tpu.memref_slice %arg5[%mul3A_20] : memref<10112xi32, #tpu.memory_space<vmem>> -> memref<128xi32, #tpu.memory_space<vmem>>
      %dma_wait3A_24 = arith.constant 0 : i32
      %dma_wait3A_25 = arith.constant 0 : i32
      %dma_wait3A_26 = tpu.memref_slice %arg2[%dma_wait3A_24, %dma_wait3A_25] : memref<10000x256xf32, #tpu.memory_space<hbm>> -> memref<10000x256xf32, #tpu.memory_space<hbm>>
      tpu.wait_indirect_dma semaphore(%arg9 : memref<!tpu.dma_semaphore, #tpu.memory_space<semaphore_mem>>) src(%dma_wait3A_26 : memref<10000x256xf32, #tpu.memory_space<hbm>>) dst(%arg6 : memref<128x256xf32, #tpu.memory_space<vmem>>)
      %scan3A_27 = arith.constant 0 : i32
      %scan3A_28 = arith.constant 0 : i32
      %scan3A_29 = arith.constant 64 : i32
      %scan3A_30 = arith.addi %scan3A_28, %scan3A_29 : i32
      %scan3A_31 = arith.constant 2 : i32
      scf.for %scan3A_39 = %scan3A_28 to %scan3A_30 step %scan3A_31  : i32 {
        %broadcast_in_dim3A = arith.constant 0.000000e+00 : f32
        %broadcast_in_dim3A_40 = vector.broadcast %broadcast_in_dim3A : f32 to vector<16xf32>
        %get3A = arith.index_cast %scan3A_39 : i32 to index
        %get3A_41 = arith.constant 0 : index
        %get3A_42 = tpu.vector_load %arg6[%get3A, %get3A_41] {strides = array<i32>} : memref<128x256xf32, #tpu.memory_space<vmem>>, vector<16xf32>,
        %add3A_43 = arith.constant 64 : i32
        %add3A_44 = arith.addi %add3A_43, %scan3A_39 : i32
        %get3A_45 = arith.index_cast %add3A_44 : i32 to index
        %get3A_46 = arith.constant 0 : index
        %get3A_47 = tpu.vector_load %arg6[%get3A_45, %get3A_46] {strides = array<i32>} : memref<128x256xf32, #tpu.memory_space<vmem>>, vector<16xf32>,
        %sub3A = arith.subf %get3A_42, %get3A_47 : vector<16xf32>
        %mul3A_48 = arith.mulf %sub3A, %sub3A : vector<16xf32>
        %add3A_49 = arith.addf %broadcast_in_dim3A_40, %mul3A_48 : vector<16xf32>
        %get3A_50 = arith.index_cast %scan3A_39 : i32 to index
        %get3A_51 = arith.constant 16 : index
        %get3A_52 = tpu.vector_load %arg6[%get3A_50, %get3A_51] {strides = array<i32>} : memref<128x256xf32, #tpu.memory_space<vmem>>, vector<16xf32>,
        %add3A_53 = arith.constant 64 : i32
        %add3A_54 = arith.addi %add3A_53, %scan3A_39 : i32
        %get3A_55 = arith.index_cast %add3A_54 : i32 to index
        %get3A_56 = arith.constant 16 : index
        %get3A_57 = tpu.vector_load %arg6[%get3A_55, %get3A_56] {strides = array<i32>} : memref<128x256xf32, #tpu.memory_space<vmem>>, vector<16xf32>,
        %sub3A_58 = arith.subf %get3A_52, %get3A_57 : vector<16xf32>
        %mul3A_59 = arith.mulf %sub3A_58, %sub3A_58 : vector<16xf32>
        %add3A_60 = arith.addf %add3A_49, %mul3A_59 : vector<16xf32>
        %get3A_61 = arith.index_cast %scan3A_39 : i32 to index
        %get3A_62 = arith.constant 32 : index
        %get3A_63 = tpu.vector_load %arg6[%get3A_61, %get3A_62] {strides = array<i32>} : memref<128x256xf32, #tpu.memory_space<vmem>>, vector<16xf32>,
        %add3A_64 = arith.constant 64 : i32
        %add3A_65 = arith.addi %add3A_64, %scan3A_39 : i32
        %get3A_66 = arith.index_cast %add3A_65 : i32 to index
        %get3A_67 = arith.constant 32 : index
        %get3A_68 = tpu.vector_load %arg6[%get3A_66, %get3A_67] {strides = array<i32>} : memref<128x256xf32, #tpu.memory_space<vmem>>, vector<16xf32>,
        %sub3A_69 = arith.subf %get3A_63, %get3A_68 : vector<16xf32>
        %mul3A_70 = arith.mulf %sub3A_69, %sub3A_69 : vector<16xf32>
        %add3A_71 = arith.addf %add3A_60, %mul3A_70 : vector<16xf32>
        %get3A_72 = arith.index_cast %scan3A_39 : i32 to index
        %get3A_73 = arith.constant 48 : index
        %get3A_74 = tpu.vector_load %arg6[%get3A_72, %get3A_73] {strides = array<i32>} : memref<128x256xf32, #tpu.memory_space<vmem>>, vector<16xf32>,
        %add3A_75 = arith.constant 64 : i32
        %add3A_76 = arith.addi %add3A_75, %scan3A_39 : i32
        %get3A_77 = arith.index_cast %add3A_76 : i32 to index
        %get3A_78 = arith.constant 48 : index
        %get3A_79 = tpu.vector_load %arg6[%get3A_77, %get3A_78] {strides = array<i32>} : memref<128x256xf32, #tpu.memory_space<vmem>>, vector<16xf32>,
        %sub3A_80 = arith.subf %get3A_74, %get3A_79 : vector<16xf32>
        %mul3A_81 = arith.mulf %sub3A_80, %sub3A_80 : vector<16xf32>
        %add3A_82 = arith.addf %add3A_71, %mul3A_81 : vector<16xf32>
        %get3A_83 = arith.index_cast %scan3A_39 : i32 to index
        %get3A_84 = arith.constant 64 : index
        %get3A_85 = tpu.vector_load %arg6[%get3A_83, %get3A_84] {strides = array<i32>} : memref<128x256xf32, #tpu.memory_space<vmem>>, vector<16xf32>,
        %add3A_86 = arith.constant 64 : i32
        %add3A_87 = arith.addi %add3A_86, %scan3A_39 : i32
        %get3A_88 = arith.index_cast %add3A_87 : i32 to index
        %get3A_89 = arith.constant 64 : index
        %get3A_90 = tpu.vector_load %arg6[%get3A_88, %get3A_89] {strides = array<i32>} : memref<128x256xf32, #tpu.memory_space<vmem>>, vector<16xf32>,
        %sub3A_91 = arith.subf %get3A_85, %get3A_90 : vector<16xf32>
        %mul3A_92 = arith.mulf %sub3A_91, %sub3A_91 : vector<16xf32>
        %add3A_93 = arith.addf %add3A_82, %mul3A_92 : vector<16xf32>
        %get3A_94 = arith.index_cast %scan3A_39 : i32 to index
        %get3A_95 = arith.constant 80 : index
        %get3A_96 = tpu.vector_load %arg6[%get3A_94, %get3A_95] {strides = array<i32>} : memref<128x256xf32, #tpu.memory_space<vmem>>, vector<16xf32>,
        %add3A_97 = arith.constant 64 : i32
        %add3A_98 = arith.addi %add3A_97, %scan3A_39 : i32
        %get3A_99 = arith.index_cast %add3A_98 : i32 to index
        %get3A_100 = arith.constant 80 : index
        %get3A_101 = tpu.vector_load %arg6[%get3A_99, %get3A_100] {strides = array<i32>} : memref<128x256xf32, #tpu.memory_space<vmem>>, vector<16xf32>,
        %sub3A_102 = arith.subf %get3A_96, %get3A_101 : vector<16xf32>
        %mul3A_103 = arith.mulf %sub3A_102, %sub3A_102 : vector<16xf32>
        %add3A_104 = arith.addf %add3A_93, %mul3A_103 : vector<16xf32>
        %get3A_105 = arith.index_cast %scan3A_39 : i32 to index
        %get3A_106 = arith.constant 96 : index
        %get3A_107 = tpu.vector_load %arg6[%get3A_105, %get3A_106] {strides = array<i32>} : memref<128x256xf32, #tpu.memory_space<vmem>>, vector<16xf32>,
        %add3A_108 = arith.constant 64 : i32
        %add3A_109 = arith.addi %add3A_108, %scan3A_39 : i32
        %get3A_110 = arith.index_cast %add3A_109 : i32 to index
        %get3A_111 = arith.constant 96 : index
        %get3A_112 = tpu.vector_load %arg6[%get3A_110, %get3A_111] {strides = array<i32>} : memref<128x256xf32, #tpu.memory_space<vmem>>, vector<16xf32>,
        %sub3A_113 = arith.subf %get3A_107, %get3A_112 : vector<16xf32>
        %mul3A_114 = arith.mulf %sub3A_113, %sub3A_113 : vector<16xf32>
        %add3A_115 = arith.addf %add3A_104, %mul3A_114 : vector<16xf32>
        %get3A_116 = arith.index_cast %scan3A_39 : i32 to index
        %get3A_117 = arith.constant 112 : index
        %get3A_118 = tpu.vector_load %arg6[%get3A_116, %get3A_117] {strides = array<i32>} : memref<128x256xf32, #tpu.memory_space<vmem>>, vector<16xf32>,
        %add3A_119 = arith.constant 64 : i32
        %add3A_120 = arith.addi %add3A_119, %scan3A_39 : i32
        %get3A_121 = arith.index_cast %add3A_120 : i32 to index
        %get3A_122 = arith.constant 112 : index
        %get3A_123 = tpu.vector_load %arg6[%get3A_121, %get3A_122] {strides = array<i32>} : memref<128x256xf32, #tpu.memory_space<vmem>>, vector<16xf32>,
        %sub3A_124 = arith.subf %get3A_118, %get3A_123 : vector<16xf32>
        %mul3A_125 = arith.mulf %sub3A_124, %sub3A_124 : vector<16xf32>
        %add3A_126 = arith.addf %add3A_115, %mul3A_125 : vector<16xf32>
        %get3A_127 = arith.index_cast %scan3A_39 : i32 to index
        %get3A_128 = arith.constant 128 : index
        %get3A_129 = tpu.vector_load %arg6[%get3A_127, %get3A_128] {strides = array<i32>} : memref<128x256xf32, #tpu.memory_space<vmem>>, vector<16xf32>,
        %add3A_130 = arith.constant 64 : i32
        %add3A_131 = arith.addi %add3A_130, %scan3A_39 : i32
        %get3A_132 = arith.index_cast %add3A_131 : i32 to index
        %get3A_133 = arith.constant 128 : index
        %get3A_134 = tpu.vector_load %arg6[%get3A_132, %get3A_133] {strides = array<i32>} : memref<128x256xf32, #tpu.memory_space<vmem>>, vector<16xf32>,
        %sub3A_135 = arith.subf %get3A_129, %get3A_134 : vector<16xf32>
        %mul3A_136 = arith.mulf %sub3A_135, %sub3A_135 : vector<16xf32>
        %add3A_137 = arith.addf %add3A_126, %mul3A_136 : vector<16xf32>
        %get3A_138 = arith.index_cast %scan3A_39 : i32 to index
        %get3A_139 = arith.constant 144 : index
        %get3A_140 = tpu.vector_load %arg6[%get3A_138, %get3A_139] {strides = array<i32>} : memref<128x256xf32, #tpu.memory_space<vmem>>, vector<16xf32>,
        %add3A_141 = arith.constant 64 : i32
        %add3A_142 = arith.addi %add3A_141, %scan3A_39 : i32
        %get3A_143 = arith.index_cast %add3A_142 : i32 to index
        %get3A_144 = arith.constant 144 : index
        %get3A_145 = tpu.vector_load %arg6[%get3A_143, %get3A_144] {strides = array<i32>} : memref<128x256xf32, #tpu.memory_space<vmem>>, vector<16xf32>,
        %sub3A_146 = arith.subf %get3A_140, %get3A_145 : vector<16xf32>
        %mul3A_147 = arith.mulf %sub3A_146, %sub3A_146 : vector<16xf32>
        %add3A_148 = arith.addf %add3A_137, %mul3A_147 : vector<16xf32>
        %get3A_149 = arith.index_cast %scan3A_39 : i32 to index
        %get3A_150 = arith.constant 160 : index
        %get3A_151 = tpu.vector_load %arg6[%get3A_149, %get3A_150] {strides = array<i32>} : memref<128x256xf32, #tpu.memory_space<vmem>>, vector<16xf32>,
        %add3A_152 = arith.constant 64 : i32
        %add3A_153 = arith.addi %add3A_152, %scan3A_39 : i32
        %get3A_154 = arith.index_cast %add3A_153 : i32 to index
        %get3A_155 = arith.constant 160 : index
        %get3A_156 = tpu.vector_load %arg6[%get3A_154, %get3A_155] {strides = array<i32>} : memref<128x256xf32, #tpu.memory_space<vmem>>, vector<16xf32>,
        %sub3A_157 = arith.subf %get3A_151, %get3A_156 : vector<16xf32>
        %mul3A_158 = arith.mulf %sub3A_157, %sub3A_157 : vector<16xf32>
        %add3A_159 = arith.addf %add3A_148, %mul3A_158 : vector<16xf32>
        %get3A_160 = arith.index_cast %scan3A_39 : i32 to index
        %get3A_161 = arith.constant 176 : index
        %get3A_162 = tpu.vector_load %arg6[%get3A_160, %get3A_161] {strides = array<i32>} : memref<128x256xf32, #tpu.memory_space<vmem>>, vector<16xf32>,
        %add3A_163 = arith.constant 64 : i32
        %add3A_164 = arith.addi %add3A_163, %scan3A_39 : i32
        %get3A_165 = arith.index_cast %add3A_164 : i32 to index
        %get3A_166 = arith.constant 176 : index
        %get3A_167 = tpu.vector_load %arg6[%get3A_165, %get3A_166] {strides = array<i32>} : memref<128x256xf32, #tpu.memory_space<vmem>>, vector<16xf32>,
        %sub3A_168 = arith.subf %get3A_162, %get3A_167 : vector<16xf32>
        %mul3A_169 = arith.mulf %sub3A_168, %sub3A_168 : vector<16xf32>
        %add3A_170 = arith.addf %add3A_159, %mul3A_169 : vector<16xf32>
        %get3A_171 = arith.index_cast %scan3A_39 : i32 to index
        %get3A_172 = arith.constant 192 : index
        %get3A_173 = tpu.vector_load %arg6[%get3A_171, %get3A_172] {strides = array<i32>} : memref<128x256xf32, #tpu.memory_space<vmem>>, vector<16xf32>,
        %add3A_174 = arith.constant 64 : i32
        %add3A_175 = arith.addi %add3A_174, %scan3A_39 : i32
        %get3A_176 = arith.index_cast %add3A_175 : i32 to index
        %get3A_177 = arith.constant 192 : index
        %get3A_178 = tpu.vector_load %arg6[%get3A_176, %get3A_177] {strides = array<i32>} : memref<128x256xf32, #tpu.memory_space<vmem>>, vector<16xf32>,
        %sub3A_179 = arith.subf %get3A_173, %get3A_178 : vector<16xf32>
        %mul3A_180 = arith.mulf %sub3A_179, %sub3A_179 : vector<16xf32>
        %add3A_181 = arith.addf %add3A_170, %mul3A_180 : vector<16xf32>
        %get3A_182 = arith.index_cast %scan3A_39 : i32 to index
        %get3A_183 = arith.constant 208 : index
        %get3A_184 = tpu.vector_load %arg6[%get3A_182, %get3A_183] {strides = array<i32>} : memref<128x256xf32, #tpu.memory_space<vmem>>, vector<16xf32>,
        %add3A_185 = arith.constant 64 : i32
        %add3A_186 = arith.addi %add3A_185, %scan3A_39 : i32
        %get3A_187 = arith.index_cast %add3A_186 : i32 to index
        %get3A_188 = arith.constant 208 : index
        %get3A_189 = tpu.vector_load %arg6[%get3A_187, %get3A_188] {strides = array<i32>} : memref<128x256xf32, #tpu.memory_space<vmem>>, vector<16xf32>,
        %sub3A_190 = arith.subf %get3A_184, %get3A_189 : vector<16xf32>
        %mul3A_191 = arith.mulf %sub3A_190, %sub3A_190 : vector<16xf32>
        %add3A_192 = arith.addf %add3A_181, %mul3A_191 : vector<16xf32>
        %get3A_193 = arith.index_cast %scan3A_39 : i32 to index
        %get3A_194 = arith.constant 224 : index
        %get3A_195 = tpu.vector_load %arg6[%get3A_193, %get3A_194] {strides = array<i32>} : memref<128x256xf32, #tpu.memory_space<vmem>>, vector<16xf32>,
        %add3A_196 = arith.constant 64 : i32
        %add3A_197 = arith.addi %add3A_196, %scan3A_39 : i32
        %get3A_198 = arith.index_cast %add3A_197 : i32 to index
        %get3A_199 = arith.constant 224 : index
        %get3A_200 = tpu.vector_load %arg6[%get3A_198, %get3A_199] {strides = array<i32>} : memref<128x256xf32, #tpu.memory_space<vmem>>, vector<16xf32>,
        %sub3A_201 = arith.subf %get3A_195, %get3A_200 : vector<16xf32>
        %mul3A_202 = arith.mulf %sub3A_201, %sub3A_201 : vector<16xf32>
        %add3A_203 = arith.addf %add3A_192, %mul3A_202 : vector<16xf32>
        %get3A_204 = arith.index_cast %scan3A_39 : i32 to index
        %get3A_205 = arith.constant 240 : index
        %get3A_206 = tpu.vector_load %arg6[%get3A_204, %get3A_205] {strides = array<i32>} : memref<128x256xf32, #tpu.memory_space<vmem>>, vector<16xf32>,
        %add3A_207 = arith.constant 64 : i32
        %add3A_208 = arith.addi %add3A_207, %scan3A_39 : i32
        %get3A_209 = arith.index_cast %add3A_208 : i32 to index
        %get3A_210 = arith.constant 240 : index
        %get3A_211 = tpu.vector_load %arg6[%get3A_209, %get3A_210] {strides = array<i32>} : memref<128x256xf32, #tpu.memory_space<vmem>>, vector<16xf32>,
        %sub3A_212 = arith.subf %get3A_206, %get3A_211 : vector<16xf32>
        %mul3A_213 = arith.mulf %sub3A_212, %sub3A_212 : vector<16xf32>
        %add3A_214 = arith.addf %add3A_203, %mul3A_213 : vector<16xf32>
        %broadcast_in_dim3A_215 = arith.constant true
        %broadcast_in_dim3A_216 = vector.broadcast %broadcast_in_dim3A_215 : i1 to vector<16xi1>
        %masked_cumsum3A = tpu.scan <sum>, %add3A_214 masked %broadcast_in_dim3A_216 : vector<16xf32>, vector<16xi1> -> vector<16xf32>
        %mul3A_217 = arith.constant 16 : i32
        %mul3A_218 = arith.muli %scan3A_39, %mul3A_217 : i32
        %swap3A = arith.index_cast %mul3A_218 : i32 to index
        %swap3A_219 = tpu.vector_load %arg7[%swap3A] {strides = array<i32>} : memref<1024xf32, #tpu.memory_space<vmem>>, vector<16xf32>,
        tpu.vector_store %arg7[%swap3A], %masked_cumsum3A {strides = array<i32>} : memref<1024xf32, #tpu.memory_space<vmem>>, vector<16xf32>,
        %scan3A_220 = arith.constant 1 : i32
        %scan3A_221 = arith.addi %scan3A_39, %scan3A_220 : i32
        %broadcast_in_dim3A_222 = arith.constant 0.000000e+00 : f32
        %broadcast_in_dim3A_223 = vector.broadcast %broadcast_in_dim3A_222 : f32 to vector<16xf32>
        %get3A_224 = arith.index_cast %scan3A_221 : i32 to index
        %get3A_225 = arith.constant 0 : index
        %get3A_226 = tpu.vector_load %arg6[%get3A_224, %get3A_225] {strides = array<i32>} : memref<128x256xf32, #tpu.memory_space<vmem>>, vector<16xf32>,
        %add3A_227 = arith.constant 64 : i32
        %add3A_228 = arith.addi %add3A_227, %scan3A_221 : i32
        %get3A_229 = arith.index_cast %add3A_228 : i32 to index
        %get3A_230 = arith.constant 0 : index
        %get3A_231 = tpu.vector_load %arg6[%get3A_229, %get3A_230] {strides = array<i32>} : memref<128x256xf32, #tpu.memory_space<vmem>>, vector<16xf32>,
        %sub3A_232 = arith.subf %get3A_226, %get3A_231 : vector<16xf32>
        %mul3A_233 = arith.mulf %sub3A_232, %sub3A_232 : vector<16xf32>
        %add3A_234 = arith.addf %broadcast_in_dim3A_223, %mul3A_233 : vector<16xf32>
        %get3A_235 = arith.index_cast %scan3A_221 : i32 to index
        %get3A_236 = arith.constant 16 : index
        %get3A_237 = tpu.vector_load %arg6[%get3A_235, %get3A_236] {strides = array<i32>} : memref<128x256xf32, #tpu.memory_space<vmem>>, vector<16xf32>,
        %add3A_238 = arith.constant 64 : i32
        %add3A_239 = arith.addi %add3A_238, %scan3A_221 : i32
        %get3A_240 = arith.index_cast %add3A_239 : i32 to index
        %get3A_241 = arith.constant 16 : index
        %get3A_242 = tpu.vector_load %arg6[%get3A_240, %get3A_241] {strides = array<i32>} : memref<128x256xf32, #tpu.memory_space<vmem>>, vector<16xf32>,
        %sub3A_243 = arith.subf %get3A_237, %get3A_242 : vector<16xf32>
        %mul3A_244 = arith.mulf %sub3A_243, %sub3A_243 : vector<16xf32>
        %add3A_245 = arith.addf %add3A_234, %mul3A_244 : vector<16xf32>
        %get3A_246 = arith.index_cast %scan3A_221 : i32 to index
        %get3A_247 = arith.constant 32 : index
        %get3A_248 = tpu.vector_load %arg6[%get3A_246, %get3A_247] {strides = array<i32>} : memref<128x256xf32, #tpu.memory_space<vmem>>, vector<16xf32>,
        %add3A_249 = arith.constant 64 : i32
        %add3A_250 = arith.addi %add3A_249, %scan3A_221 : i32
        %get3A_251 = arith.index_cast %add3A_250 : i32 to index
        %get3A_252 = arith.constant 32 : index
        %get3A_253 = tpu.vector_load %arg6[%get3A_251, %get3A_252] {strides = array<i32>} : memref<128x256xf32, #tpu.memory_space<vmem>>, vector<16xf32>,
        %sub3A_254 = arith.subf %get3A_248, %get3A_253 : vector<16xf32>
        %mul3A_255 = arith.mulf %sub3A_254, %sub3A_254 : vector<16xf32>
        %add3A_256 = arith.addf %add3A_245, %mul3A_255 : vector<16xf32>
        %get3A_257 = arith.index_cast %scan3A_221 : i32 to index
        %get3A_258 = arith.constant 48 : index
        %get3A_259 = tpu.vector_load %arg6[%get3A_257, %get3A_258] {strides = array<i32>} : memref<128x256xf32, #tpu.memory_space<vmem>>, vector<16xf32>,
        %add3A_260 = arith.constant 64 : i32
        %add3A_261 = arith.addi %add3A_260, %scan3A_221 : i32
        %get3A_262 = arith.index_cast %add3A_261 : i32 to index
        %get3A_263 = arith.constant 48 : index
        %get3A_264 = tpu.vector_load %arg6[%get3A_262, %get3A_263] {strides = array<i32>} : memref<128x256xf32, #tpu.memory_space<vmem>>, vector<16xf32>,
        %sub3A_265 = arith.subf %get3A_259, %get3A_264 : vector<16xf32>
        %mul3A_266 = arith.mulf %sub3A_265, %sub3A_265 : vector<16xf32>
        %add3A_267 = arith.addf %add3A_256, %mul3A_266 : vector<16xf32>
        %get3A_268 = arith.index_cast %scan3A_221 : i32 to index
        %get3A_269 = arith.constant 64 : index
        %get3A_270 = tpu.vector_load %arg6[%get3A_268, %get3A_269] {strides = array<i32>} : memref<128x256xf32, #tpu.memory_space<vmem>>, vector<16xf32>,
        %add3A_271 = arith.constant 64 : i32
        %add3A_272 = arith.addi %add3A_271, %scan3A_221 : i32
        %get3A_273 = arith.index_cast %add3A_272 : i32 to index
        %get3A_274 = arith.constant 64 : index
        %get3A_275 = tpu.vector_load %arg6[%get3A_273, %get3A_274] {strides = array<i32>} : memref<128x256xf32, #tpu.memory_space<vmem>>, vector<16xf32>,
        %sub3A_276 = arith.subf %get3A_270, %get3A_275 : vector<16xf32>
        %mul3A_277 = arith.mulf %sub3A_276, %sub3A_276 : vector<16xf32>
        %add3A_278 = arith.addf %add3A_267, %mul3A_277 : vector<16xf32>
        %get3A_279 = arith.index_cast %scan3A_221 : i32 to index
        %get3A_280 = arith.constant 80 : index
        %get3A_281 = tpu.vector_load %arg6[%get3A_279, %get3A_280] {strides = array<i32>} : memref<128x256xf32, #tpu.memory_space<vmem>>, vector<16xf32>,
        %add3A_282 = arith.constant 64 : i32
        %add3A_283 = arith.addi %add3A_282, %scan3A_221 : i32
        %get3A_284 = arith.index_cast %add3A_283 : i32 to index
        %get3A_285 = arith.constant 80 : index
        %get3A_286 = tpu.vector_load %arg6[%get3A_284, %get3A_285] {strides = array<i32>} : memref<128x256xf32, #tpu.memory_space<vmem>>, vector<16xf32>,
        %sub3A_287 = arith.subf %get3A_281, %get3A_286 : vector<16xf32>
        %mul3A_288 = arith.mulf %sub3A_287, %sub3A_287 : vector<16xf32>
        %add3A_289 = arith.addf %add3A_278, %mul3A_288 : vector<16xf32>
        %get3A_290 = arith.index_cast %scan3A_221 : i32 to index
        %get3A_291 = arith.constant 96 : index
        %get3A_292 = tpu.vector_load %arg6[%get3A_290, %get3A_291] {strides = array<i32>} : memref<128x256xf32, #tpu.memory_space<vmem>>, vector<16xf32>,
        %add3A_293 = arith.constant 64 : i32
        %add3A_294 = arith.addi %add3A_293, %scan3A_221 : i32
        %get3A_295 = arith.index_cast %add3A_294 : i32 to index
        %get3A_296 = arith.constant 96 : index
        %get3A_297 = tpu.vector_load %arg6[%get3A_295, %get3A_296] {strides = array<i32>} : memref<128x256xf32, #tpu.memory_space<vmem>>, vector<16xf32>,
        %sub3A_298 = arith.subf %get3A_292, %get3A_297 : vector<16xf32>
        %mul3A_299 = arith.mulf %sub3A_298, %sub3A_298 : vector<16xf32>
        %add3A_300 = arith.addf %add3A_289, %mul3A_299 : vector<16xf32>
        %get3A_301 = arith.index_cast %scan3A_221 : i32 to index
        %get3A_302 = arith.constant 112 : index
        %get3A_303 = tpu.vector_load %arg6[%get3A_301, %get3A_302] {strides = array<i32>} : memref<128x256xf32, #tpu.memory_space<vmem>>, vector<16xf32>,
        %add3A_304 = arith.constant 64 : i32
        %add3A_305 = arith.addi %add3A_304, %scan3A_221 : i32
        %get3A_306 = arith.index_cast %add3A_305 : i32 to index
        %get3A_307 = arith.constant 112 : index
        %get3A_308 = tpu.vector_load %arg6[%get3A_306, %get3A_307] {strides = array<i32>} : memref<128x256xf32, #tpu.memory_space<vmem>>, vector<16xf32>,
        %sub3A_309 = arith.subf %get3A_303, %get3A_308 : vector<16xf32>
        %mul3A_310 = arith.mulf %sub3A_309, %sub3A_309 : vector<16xf32>
        %add3A_311 = arith.addf %add3A_300, %mul3A_310 : vector<16xf32>
        %get3A_312 = arith.index_cast %scan3A_221 : i32 to index
        %get3A_313 = arith.constant 128 : index
        %get3A_314 = tpu.vector_load %arg6[%get3A_312, %get3A_313] {strides = array<i32>} : memref<128x256xf32, #tpu.memory_space<vmem>>, vector<16xf32>,
        %add3A_315 = arith.constant 64 : i32
        %add3A_316 = arith.addi %add3A_315, %scan3A_221 : i32
        %get3A_317 = arith.index_cast %add3A_316 : i32 to index
        %get3A_318 = arith.constant 128 : index
        %get3A_319 = tpu.vector_load %arg6[%get3A_317, %get3A_318] {strides = array<i32>} : memref<128x256xf32, #tpu.memory_space<vmem>>, vector<16xf32>,
        %sub3A_320 = arith.subf %get3A_314, %get3A_319 : vector<16xf32>
        %mul3A_321 = arith.mulf %sub3A_320, %sub3A_320 : vector<16xf32>
        %add3A_322 = arith.addf %add3A_311, %mul3A_321 : vector<16xf32>
        %get3A_323 = arith.index_cast %scan3A_221 : i32 to index
        %get3A_324 = arith.constant 144 : index
        %get3A_325 = tpu.vector_load %arg6[%get3A_323, %get3A_324] {strides = array<i32>} : memref<128x256xf32, #tpu.memory_space<vmem>>, vector<16xf32>,
        %add3A_326 = arith.constant 64 : i32
        %add3A_327 = arith.addi %add3A_326, %scan3A_221 : i32
        %get3A_328 = arith.index_cast %add3A_327 : i32 to index
        %get3A_329 = arith.constant 144 : index
        %get3A_330 = tpu.vector_load %arg6[%get3A_328, %get3A_329] {strides = array<i32>} : memref<128x256xf32, #tpu.memory_space<vmem>>, vector<16xf32>,
        %sub3A_331 = arith.subf %get3A_325, %get3A_330 : vector<16xf32>
        %mul3A_332 = arith.mulf %sub3A_331, %sub3A_331 : vector<16xf32>
        %add3A_333 = arith.addf %add3A_322, %mul3A_332 : vector<16xf32>
        %get3A_334 = arith.index_cast %scan3A_221 : i32 to index
        %get3A_335 = arith.constant 160 : index
        %get3A_336 = tpu.vector_load %arg6[%get3A_334, %get3A_335] {strides = array<i32>} : memref<128x256xf32, #tpu.memory_space<vmem>>, vector<16xf32>,
        %add3A_337 = arith.constant 64 : i32
        %add3A_338 = arith.addi %add3A_337, %scan3A_221 : i32
        %get3A_339 = arith.index_cast %add3A_338 : i32 to index
        %get3A_340 = arith.constant 160 : index
        %get3A_341 = tpu.vector_load %arg6[%get3A_339, %get3A_340] {strides = array<i32>} : memref<128x256xf32, #tpu.memory_space<vmem>>, vector<16xf32>,
        %sub3A_342 = arith.subf %get3A_336, %get3A_341 : vector<16xf32>
        %mul3A_343 = arith.mulf %sub3A_342, %sub3A_342 : vector<16xf32>
        %add3A_344 = arith.addf %add3A_333, %mul3A_343 : vector<16xf32>
        %get3A_345 = arith.index_cast %scan3A_221 : i32 to index
        %get3A_346 = arith.constant 176 : index
        %get3A_347 = tpu.vector_load %arg6[%get3A_345, %get3A_346] {strides = array<i32>} : memref<128x256xf32, #tpu.memory_space<vmem>>, vector<16xf32>,
        %add3A_348 = arith.constant 64 : i32
        %add3A_349 = arith.addi %add3A_348, %scan3A_221 : i32
        %get3A_350 = arith.index_cast %add3A_349 : i32 to index
        %get3A_351 = arith.constant 176 : index
        %get3A_352 = tpu.vector_load %arg6[%get3A_350, %get3A_351] {strides = array<i32>} : memref<128x256xf32, #tpu.memory_space<vmem>>, vector<16xf32>,
        %sub3A_353 = arith.subf %get3A_347, %get3A_352 : vector<16xf32>
        %mul3A_354 = arith.mulf %sub3A_353, %sub3A_353 : vector<16xf32>
        %add3A_355 = arith.addf %add3A_344, %mul3A_354 : vector<16xf32>
        %get3A_356 = arith.index_cast %scan3A_221 : i32 to index
        %get3A_357 = arith.constant 192 : index
        %get3A_358 = tpu.vector_load %arg6[%get3A_356, %get3A_357] {strides = array<i32>} : memref<128x256xf32, #tpu.memory_space<vmem>>, vector<16xf32>,
        %add3A_359 = arith.constant 64 : i32
        %add3A_360 = arith.addi %add3A_359, %scan3A_221 : i32
        %get3A_361 = arith.index_cast %add3A_360 : i32 to index
        %get3A_362 = arith.constant 192 : index
        %get3A_363 = tpu.vector_load %arg6[%get3A_361, %get3A_362] {strides = array<i32>} : memref<128x256xf32, #tpu.memory_space<vmem>>, vector<16xf32>,
        %sub3A_364 = arith.subf %get3A_358, %get3A_363 : vector<16xf32>
        %mul3A_365 = arith.mulf %sub3A_364, %sub3A_364 : vector<16xf32>
        %add3A_366 = arith.addf %add3A_355, %mul3A_365 : vector<16xf32>
        %get3A_367 = arith.index_cast %scan3A_221 : i32 to index
        %get3A_368 = arith.constant 208 : index
        %get3A_369 = tpu.vector_load %arg6[%get3A_367, %get3A_368] {strides = array<i32>} : memref<128x256xf32, #tpu.memory_space<vmem>>, vector<16xf32>,
        %add3A_370 = arith.constant 64 : i32
        %add3A_371 = arith.addi %add3A_370, %scan3A_221 : i32
        %get3A_372 = arith.index_cast %add3A_371 : i32 to index
        %get3A_373 = arith.constant 208 : index
        %get3A_374 = tpu.vector_load %arg6[%get3A_372, %get3A_373] {strides = array<i32>} : memref<128x256xf32, #tpu.memory_space<vmem>>, vector<16xf32>,
        %sub3A_375 = arith.subf %get3A_369, %get3A_374 : vector<16xf32>
        %mul3A_376 = arith.mulf %sub3A_375, %sub3A_375 : vector<16xf32>
        %add3A_377 = arith.addf %add3A_366, %mul3A_376 : vector<16xf32>
        %get3A_378 = arith.index_cast %scan3A_221 : i32 to index
        %get3A_379 = arith.constant 224 : index
        %get3A_380 = tpu.vector_load %arg6[%get3A_378, %get3A_379] {strides = array<i32>} : memref<128x256xf32, #tpu.memory_space<vmem>>, vector<16xf32>,
        %add3A_381 = arith.constant 64 : i32
        %add3A_382 = arith.addi %add3A_381, %scan3A_221 : i32
        %get3A_383 = arith.index_cast %add3A_382 : i32 to index
        %get3A_384 = arith.constant 224 : index
        %get3A_385 = tpu.vector_load %arg6[%get3A_383, %get3A_384] {strides = array<i32>} : memref<128x256xf32, #tpu.memory_space<vmem>>, vector<16xf32>,
        %sub3A_386 = arith.subf %get3A_380, %get3A_385 : vector<16xf32>
        %mul3A_387 = arith.mulf %sub3A_386, %sub3A_386 : vector<16xf32>
        %add3A_388 = arith.addf %add3A_377, %mul3A_387 : vector<16xf32>
        %get3A_389 = arith.index_cast %scan3A_221 : i32 to index
        %get3A_390 = arith.constant 240 : index
        %get3A_391 = tpu.vector_load %arg6[%get3A_389, %get3A_390] {strides = array<i32>} : memref<128x256xf32, #tpu.memory_space<vmem>>, vector<16xf32>,
        %add3A_392 = arith.constant 64 : i32
        %add3A_393 = arith.addi %add3A_392, %scan3A_221 : i32
        %get3A_394 = arith.index_cast %add3A_393 : i32 to index
        %get3A_395 = arith.constant 240 : index
        %get3A_396 = tpu.vector_load %arg6[%get3A_394, %get3A_395] {strides = array<i32>} : memref<128x256xf32, #tpu.memory_space<vmem>>, vector<16xf32>,
        %sub3A_397 = arith.subf %get3A_391, %get3A_396 : vector<16xf32>
        %mul3A_398 = arith.mulf %sub3A_397, %sub3A_397 : vector<16xf32>
        %add3A_399 = arith.addf %add3A_388, %mul3A_398 : vector<16xf32>
        %broadcast_in_dim3A_400 = arith.constant true
        %broadcast_in_dim3A_401 = vector.broadcast %broadcast_in_dim3A_400 : i1 to vector<16xi1>
        %masked_cumsum3A_402 = tpu.scan <sum>, %add3A_399 masked %broadcast_in_dim3A_401 : vector<16xf32>, vector<16xi1> -> vector<16xf32>
        %mul3A_403 = arith.constant 16 : i32
        %mul3A_404 = arith.muli %scan3A_221, %mul3A_403 : i32
        %swap3A_405 = arith.index_cast %mul3A_404 : i32 to index
        %swap3A_406 = tpu.vector_load %arg7[%swap3A_405] {strides = array<i32>} : memref<1024xf32, #tpu.memory_space<vmem>>, vector<16xf32>,
        tpu.vector_store %arg7[%swap3A_405], %masked_cumsum3A_402 {strides = array<i32>} : memref<1024xf32, #tpu.memory_space<vmem>>, vector<16xf32>,
      }
      %scan3A_32 = arith.constant 64 : i32
      %scan3A_33 = arith.constant 0 : i32
      %scan3A_34 = arith.constant 0 : i32
      %scan3A_35 = arith.constant 4 : i32
      %scan3A_36 = arith.addi %scan3A_34, %scan3A_35 : i32
      %scan3A_37 = arith.constant 1 : i32
      scf.for %scan3A_39 = %scan3A_34 to %scan3A_36 step %scan3A_37  : i32 {
        %mul3A_40 = arith.constant 256 : i32
        %mul3A_41 = arith.muli %scan3A_39, %mul3A_40 : i32
        %add3A_42 = vector.broadcast %mul3A_41 : i32 to vector<16xi32>
        %add3A_43 = arith.addi %add3A_42, %add3A_10 : vector<16xi32>
        %gather3A = tpu.vector_load_idx %arg7[%add3A_43] : memref<1024xf32, #tpu.memory_space<vmem>>[vector<16xi32>], vector<16xf32>,
        %sub3A = arith.constant 2.000000e+00 : f32
        %sub3A_44 = vector.broadcast %sub3A : f32 to vector<16xf32>
        %sub3A_45 = arith.subf %gather3A, %sub3A_44 : vector<16xf32>
        %mul3A_46 = arith.constant 1.000000e+00 : f32
        %mul3A_47 = vector.broadcast %mul3A_46 : f32 to vector<16xf32>
        %mul3A_48 = arith.mulf %sub3A_45, %mul3A_47 : vector<16xf32>
        %exp3A = math.exp %mul3A_48 : vector<16xf32>
        %add3A_49 = arith.constant 1.000000e+00 : f32
        %add3A_50 = vector.broadcast %add3A_49 : f32 to vector<16xf32>
        %add3A_51 = arith.addf %exp3A, %add3A_50 : vector<16xf32>
        %div3A = arith.constant 1.000000e+00 : f32
        %div3A_52 = vector.broadcast %div3A : f32 to vector<16xf32>
        %div3A_53 = arith.divf %div3A_52, %add3A_51 : vector<16xf32>
        %mul3A_54 = arith.constant 16 : i32
        %mul3A_55 = arith.muli %scan3A_39, %mul3A_54 : i32
        %add3A_56 = arith.addi %mul3A_18, %mul3A_55 : i32
        %swap3A = arith.index_cast %add3A_56 : i32 to index
        %swap3A_57 = tpu.vector_load %arg8[%swap3A] {strides = array<i32>} : memref<5056xf32, #tpu.memory_space<vmem>>, vector<16xf32>,
        tpu.vector_store %arg8[%swap3A], %div3A_53 {strides = array<i32>} : memref<5056xf32, #tpu.memory_space<vmem>>, vector<16xf32>,
      }
      %scan3A_38 = arith.constant 4 : i32
    }
    %scan3A_15 = arith.constant 79 : i32
    "tpu.region"() ({
      %run_scoped3A = tpu.sem_alloc : memref<!tpu.dma_semaphore, #tpu.memory_space<semaphore_mem>>
      %dma_start3A = tpu.memref_slice %arg4[%mul3A_2] : memref<161792xf32, #tpu.memory_space<hbm>> -> memref<5056xf32, #tpu.memory_space<hbm>>
      %dma_start3A_16 = tpu.memref_slice %arg4[%mul3A_2] : memref<161792xf32, #tpu.memory_space<hbm>> -> memref<5056xf32, #tpu.memory_space<hbm>>
      tpu.enqueue_dma source(%arg8 : memref<5056xf32, #tpu.memory_space<vmem>>) target(%dma_start3A_16 : memref<5056xf32, #tpu.memory_space<hbm>>) target_semaphore(%run_scoped3A : memref<!tpu.dma_semaphore, #tpu.memory_space<semaphore_mem>>)
      %dma_wait3A = tpu.memref_slice %arg4[%mul3A_2] : memref<161792xf32, #tpu.memory_space<hbm>> -> memref<5056xf32, #tpu.memory_space<hbm>>
      %dma_wait3A_17 = tpu.memref_slice %arg4[%mul3A_2] : memref<161792xf32, #tpu.memory_space<hbm>> -> memref<5056xf32, #tpu.memory_space<hbm>>
      tpu.wait_dma2 semaphore(%run_scoped3A : memref<!tpu.dma_semaphore, #tpu.memory_space<semaphore_mem>>) src(%arg8 : memref<5056xf32, #tpu.memory_space<vmem>>) dst(%dma_wait3A_17 : memref<5056xf32, #tpu.memory_space<hbm>>)
      tpu.yield
    }) : () -> ()
    return
  }
}

</mosaic_0001>

<sc_bundles>
// kernel: kernel.3.cloned.1.call-start
scs
__scs_entry_jumppad:
0x0: {  	(pc) =	sbr.rel $0x88, $3  }
0x1: {  	(tag) =	ssettag $0x0;
	lr =	simm.s32 $0x1  }
0x2: {  	[smem:$0x3F9F] =	sst lr;
	_ =	strace $0xD0000000  }
0x3: {  	_ = 	snop  }
0x4: {  	_ = 	snop  }
0x5: {  	_ = 	snop  }
0x6: {  	_ = 	snop  }
0x7: {  	_ = 	snop  }
__scs_overlays_trampoline_lowered:
0x8: {  	[smem:$0x3FAE] =	sst s0  }
0x9: {  	[smem:$0x3FAF] =	sst s1  }
0xa: {  	[smem:$0x3FB0] =	sst s2  }
0xb: {  	[smem:$0x3FB1] =	sst s3  }
0xc: {  	[smem:$0x3FB2] =	sst s4  }
0xd: {  	[smem:$0x3FB3] =	sst s5  }
0xe: {  	[smem:$0x3FB4] =	sst s6  }
0xf: {  	[smem:$0x3FB5] =	sst s7  }
0x10: {  	[smem:$0x3FB6] =	sst s8  }
0x11: {  	[smem:$0x3FB7] =	sst s9;
	s0 =	simm.s32 @!p0 $0x0  }
0x12: {  	s1 =	sld [smem:$0x3F9D];
	s0 =	simm.s32 @p0 $0x1  }
0x13: {  	[smem:$0x3FB8] =	sst s0;
	s0 =	simm.s32 @!p1 $0x0  }
0x14: {  	s2 =	sld [smem:$0x3F9C];
	s0 =	simm.s32 @p1 $0x1  }
0x15: {  	[smem:$0x3FB9] =	sst s0;
	s0 =	simm.s32 @!p2 $0x0  }
0x16: {  	s3 =	sld [smem:$0x3FDB];
	s0 =	simm.s32 @p2 $0x1  }
0x17: {  	s4 =	simm.s32 $0x1BF5;
	[smem:$0x3FBB] =	sst s0  }
0x18: {  	s0 =	sld [smem:$0x3F9E];
	_ =	swait.ge [sflag:s4], $0x0  }
0x19: {  	s7 =	sld [smem:$0x3F9F]  }
0x1a: {  	s8 =	sadd.s32 $0xFFFFE003, lr  }
0x1b: {  	s9 =	sadd.s32 $0xFFFFFEF7, lr;
	s5 =	simm.s32 $0xFFFFFFFF;
	p2 =	slt.u32 s8, $0xFFFFF086  }
0x1c: {  	p1 =	slt.u32 s9, $0xF7A;
	s5 =	simm.s32 @!p2 $0x0  }
0x1d: {  	s5 =	simm.s32 @p1 $0x1;
	p0 =	seq.s32 s7, s2  }
0x1e: {  	s7 =	smul.u32 @!p0 $0xF7A, s2;
	p2 =	seq.s32 @!p0 s5, $0x0  }
0x1f: {  	s9 =	smul.u32 $0xF7A, s1;
	s8 =	simm.s32 @!p0 $0x1BF5;
	p2 =	por !p2, p0  }
0x20: {  	[sflag:s8] =	ssyncset.s32 @!p0 $0xFFFFF086;
	s6 =	sadd.s32 @!p0 s3, s7;
	s7 =	simm.s32 @!p0 $0x108  }
0x21: {  	s3 =	sadd.s32 s3, s9;
	s6 =	sadd.s32 @!p0 $0x88, s6;
	s7 =	simm.s32 @p2 $0x1082  }
0x22: {  	[simem:s7], [sflag:s8] =	dma.local @!p0 [hbm:s6], $0xF7A  }
0x23: {  	s9 =	sor.u32 $0xD0000000, s2;
	s6 =	simm.s32 $0x108;
	_ =	swait.ge @!p0 [sflag:s8], $0x0  }
0x24: {  	s3 =	sadd.s32 $0x88, s3;
	s6 =	simm.s32 @!p1 $0x1082;
	[sflag:s4] =	ssyncset.s32 $0xFFFFF086  }
0x25: {  	[simem:s6], [sflag:s4] =	dma.local [hbm:s3], $0xF7A  }
0x26: {  	[smem:$0x3F9F] =	sst s1;
	(tag) =	ssettag s2;
	_ =	strace s9  }
0x27: {  	s1 =	sld [smem:$0x3FAF]  }
0x28: {  	s2 =	sld [smem:$0x3FB0]  }
0x29: {  	s4 =	sld [smem:$0x3FB2]  }
0x2a: {  	p0 =	seq.s32 s5, $0x0;
	s5 =	sld [smem:$0x3FB3]  }
0x2b: {  	s6 =	sld [smem:$0x3FB4]  }
0x2c: {  	s7 =	sld [smem:$0x3FB5]  }
0x2d: {  	s3 =	simm.s32 $0x108;
	s8 =	sld [smem:$0x3FB6]  }
0x2e: {  	s3 =	simm.s32 @!p0 $0x1082;
	s9 =	sld [smem:$0x3FB7]  }
0x2f: {  	lr =	sadd.s32 s0, s3;
	s0 =	sld [smem:$0x3FAE]  }
0x30: {  	s3 =	sld [smem:$0x3FB1]  }
0x31: {  	[smem:$0x3FBA] =	sst s10  }
0x32: {  	s10 =	sld [smem:$0x3FB8];
	_ =	sdelay $0x3  }
0x33: {  	p0 =	seq.s32 s10, $0x1;
	s10 =	sld [smem:$0x3FBA];
	_ =	sdelay $0x3  }
0x34: {  	[smem:$0x3FBA] =	sst s10  }
0x35: {  	s10 =	sld [smem:$0x3FB9];
	_ =	sdelay $0x3  }
0x36: {  	p1 =	seq.s32 s10, $0x1;
	s10 =	sld [smem:$0x3FBA];
	_ =	sdelay $0x3  }
0x37: {  	[smem:$0x3FBA] =	sst s10  }
0x38: {  	s10 =	sld [smem:$0x3FBB]  }
0x39: {  	_ = 	snop;
	(pc) =	sbr.ind lr, $3  }
0x3a: {  	_ = 	snop  }
0x3b: {  	_ = 	snop  }
0x3c: {  	p2 =	seq.s32 s10, $0x1;
	s10 =	sld [smem:$0x3FBA]  }
0x3d: {  	_ =	shalt  }
0x3e: {  	_ =	shalt  }
0x3f: {  	_ =	shalt  }
0x40: {  	_ =	shalt  }
0x41: {  	_ =	shalt  }
0x42: {  	_ =	shalt  }
0x43: {  	_ =	shalt  }
0x44: {  	_ =	shalt  }
0x45: {  	_ =	shalt  }
0x46: {  	_ =	shalt  }
0x47: {  	_ =	shalt  }
0x48: {  	_ =	shalt  }
0x49: {  	_ =	shalt  }
0x4a: {  	_ =	shalt  }
0x4b: {  	_ =	shalt  }
0x4c: {  	_ =	shalt  }
0x4d: {  	_ =	shalt  }
0x4e: {  	_ =	shalt  }
0x4f: {  	_ =	shalt  }
0x50: {  	_ =	shalt  }
0x51: {  	_ =	shalt  }
0x52: {  	_ =	shalt  }
0x53: {  	_ =	shalt  }
0x54: {  	_ =	shalt  }
0x55: {  	_ =	shalt  }
0x56: {  	_ =	shalt  }
0x57: {  	_ =	shalt  }
0x58: {  	_ =	shalt  }
0x59: {  	_ =	shalt  }
0x5a: {  	_ =	shalt  }
0x5b: {  	_ =	shalt  }
0x5c: {  	_ =	shalt  }
0x5d: {  	_ =	shalt  }
0x5e: {  	_ =	shalt  }
0x5f: {  	_ =	shalt  }
0x60: {  	_ =	shalt  }
0x61: {  	_ =	shalt  }
0x62: {  	_ =	shalt  }
0x63: {  	_ =	shalt  }
0x64: {  	_ =	shalt  }
0x65: {  	_ =	shalt  }
0x66: {  	_ =	shalt  }
0x67: {  	_ =	shalt  }
0x68: {  	_ =	shalt  }
0x69: {  	_ =	shalt  }
0x6a: {  	_ =	shalt  }
0x6b: {  	_ =	shalt  }
0x6c: {  	_ =	shalt  }
0x6d: {  	_ =	shalt  }
0x6e: {  	_ =	shalt  }
0x6f: {  	_ =	shalt  }
0x70: {  	_ =	shalt  }
0x71: {  	_ =	shalt  }
0x72: {  	_ =	shalt  }
0x73: {  	_ =	shalt  }
0x74: {  	_ =	shalt  }
0x75: {  	_ =	shalt  }
0x76: {  	_ =	shalt  }
0x77: {  	_ =	shalt  }
0x78: {  	_ =	shalt  }
0x79: {  	_ =	shalt  }
0x7a: {  	_ =	shalt  }
0x7b: {  	_ =	shalt  }
0x7c: {  	_ =	shalt  }
0x7d: {  	_ =	shalt  }
0x7e: {  	_ =	shalt  }
0x7f: {  	_ =	shalt  }
0x80: {  	_ =	shalt  }
0x81: {  	_ =	shalt  }
0x82: {  	_ =	shalt  }
0x83: {  	_ =	shalt  }
0x84: {  	_ =	shalt  }
0x85: {  	_ =	shalt  }
0x86: {  	_ =	shalt  }
0x87: {  	_ =	shalt  }
.Lfunc_end0:
.L_simem_size_0:
called_computation_lowered:
.L_overlay_start_0:
0x88: {  	s2 =	sld [smem:$0x3FD9]  }
0x89: {  	s3 =	sld [smem:$0x3FFE];
	_ =	sdelay $0x1  }
0x8a: {  	s1 =	srdreg.scid  }
0x8b: {  	s0 =	sand.u32 $0x1, s1  }
0x8c: {  	s17 =	sshll.u32 s0, $0xA;
	s2 =	sadd.s32 s3, s2  }
0x8d: {  	s2 =	sadd.s32 s2, s17  }
0x8e: {  	[smem:$0x3FC6] =	sst s2  }
0x8f: {  	_ = 	snop  }
0x90: {  	s2 =	sld [smem:$0x3FC9];
	(tm) =	ssettm $0x1  }
0x91: {  	s18 =	sld [smem:$0x3FFB];
	_ =	sdelay $0x3  }
0x92: {  	_ =	strace s18  }
0x93: {  	s3 =	sld [smem:$0x3FFC];
	_ =	sdelay $0x3  }
0x94: {  	_ =	strace s3  }
0x95: {  	s3 =	sld [smem:$0x3FFD];
	_ =	sdelay $0x3  }
0x96: {  	_ =	strace s3  }
0x97: {  	_ =	strace $0x8FFFFFFF  }
0x98: {  	s19 =	sld [smem:$0x3FDB];
	_ =	sdelay $0x1  }
0x99: {  	s4 =	simm.s32 $_scs_section_size  }
0x9a: {  	s5 =	simm.s32 $_size__tile_overlayer_lowered;
	s6 =	simm.s32 $_tile_overlayer_lowered  }
0x9b: {  	s22 =	simm.s32 $0x1BFF;
	s21 =	sshll.u32 s6, $0x1;
	s3 =	sadd.s32 s4, s19  }
0x9c: {  	s7 =	simm.s32 $0x0;
	s20 =	sshll.u32 s5, $0x1;
	s5 =	sadd.s32 s21, s3  }
0x9d: {  	[timem:s7], [sflag:s22] =	dma.local [hbm:s5], s20  }
0x9e: {  	_ =	swait.ge [sflag:s22], s20  }
0x9f: {  	s4 =	ssub.s32 $0x0, s20;
	[sflag:s22] =	ssyncset.done $0x0  }
0xa0: {  	[sflag:s22] =	ssyncadd.s32 s4;
	_ =	sdelay $0x1  }
0xa1: {  	s23 =	simm.s32 $0x1B8B  }
0xa2: {  	_ =	swait.ge [sflag:s23], $0x1  }
0xa3: {  	[sflag:s23] =	ssyncset.done $0x0  }
0xa4: {  	s25 =	simm.s32 $0x1B8E;
	s24 =	sld [smem:$0x3FFE];
	[sflag:s23] =	ssyncadd.s32 $0xFFFFFFFF  }
0xa5: {  	s26 =	simm.s32 $execute0_lowered;
	[smem:$0x3FD2] =	sst s25  }
0xa6: {  	s5 =	sshll.u32 s26, $0x1;
	_ =	strace $0x80000046;
	[dreg:$0x1] =	wrdreg $0xFFFFFFFF  }
0xa7: {  	s28 =	simm.s32 $_size_execute0_lowered;
	s3 =	sadd.s32 s3, s5;
	[dreg:$0x0] =	wrdreg $0x0  }
0xa8: {  	s5 =	sshll.u32 s28, $0x1;
	[dreg:$0x2] =	wrdreg s3  }
0xa9: {  	[dreg:$0x3] =	wrdreg s5  }
0xaa: {  	[dreg:$0x4] =	wrdreg $0xC0  }
0xab: {  	_ =	task [dreg:s7], $0x5FFFF  }
0xac: {  	[dreg:$0x1] =	wrdreg $0xFFFFFFFF  }
0xad: {  	[dreg:$0x0] =	wrdreg $0x60  }
0xae: {  	[dreg:$0x2] =	wrdreg s2  }
0xaf: {  	[dreg:$0x3] =	wrdreg s24  }
0xb0: {  	[dreg:$0x4] =	wrdreg $0x9  }
0xb1: {  	_ =	task.clear_ibuf [dreg:s7], $0x5FFFF;
	_ =	strace $0x90000046  }
0xb2: {  	s29 =	simm.s32 $0x9;
	_ =	strace $0x80000048  }
0xb3: {  	_ =	swait.ge [sflag:s29], $0x1  }
0xb4: {  	[sflag:s29] =	ssyncadd.s32 $0xFFFFFFFF  }
0xb5: {  	_ =	strace $0x90000048  }
0xb6: {  	_ =	sfence  }
0xb7: {  	s30 =	sld [smem:$0x0];
	_ =	sdelay $0x2  }
0xb8: {  	s31 =	sshll.u32 s1, $0xD;
	s1 =	sshrl.u32 s1, $0x2  }
0xb9: {  	s3 =	sand.u32 $0x4000, s31;
	s1 =	sadd.s32 s1, s30  }
0xba: {  	s0 =	sor.u32 s3, s0;
	s1 =	sshll.u32 s1, $0x11  }
0xbb: {  	s0 =	sor.u32 s1, s0  }
0xbc: {  	s0 =	sadd.s32 $0x8F2B, s0  }
0xbd: {  	[sflag:s0] =	ssyncadd.remote.s32 $0x1  }
0xbe: {  	_ =	sfence.sel $0xFFFF  }
0xbf: {  	[dreg:$0x0] =	wrdreg $0xFFFFFFFF;
	(pc) =	sbr.abs _section_cstart, $3  }
0xc0: {  	[dreg:$0x1] =	wrdreg $0xFFFFFFFF  }
0xc1: {  	_ =	task.clear_ibuf [dreg:s7], $0x2FFFF;
	_ =	strace $0x9FFFFFFF  }
0xc2: {  	(tm) =	ssettm $0x7FFFFFFF  }
0xc3: {  	_ =	shalt  }
tec
execute0_lowered:
.L_overlay_start_1:
0x0: {  	(tag) =	ssettag $0x1  }
0x1: {  	s2 =	rddreg [dreg:$0x0]  }
0x2: {  	s0 =	srdreg.scid;
	s3 =	stileid.u32  }
0x3: {  	s1 =	rddreg [dreg:$0x1];
	s6 =	simm.s32 $0x0;
	s7 =	simm.s32 $0x2  }
0x4: {  	s8 =	simm.s32 $0x2780;
	s9 =	simm.s32 $0x2F80;
	s10 =	simm.s32 $0x3780  }
0x5: {  	s11 =	simm.s32 $0x3F80;
	s12 =	simm.s32 $0x4780;
	s13 =	simm.s32 $0x4F80  }
0x6: {  	s14 =	simm.s32 $0x5780;
	s15 =	simm.s32 $0x5F80;
	s16 =	simm.s32 $0x6780  }
0x7: {  	s17 =	simm.s32 $0x6F80;
	s0 =	sand.u32 $0x1, s0;
	s3 =	sshll.u32 s3, $0x1  }
0x8: {  	s18 =	simm.s32 $0x7780;
	s19 =	simm.s32 $0x7F80;
	s3 =	sor.u32 s0, s3  }
0x9: {  	s20 =	simm.s32 $0x8780;
	s21 =	simm.s32 $0x8F80;
	s4 =	smul.u32 $0x278, s3  }
0xa: {  	s22 =	simm.s32 $0x9780;
	s0 =	ssub.s32 $0x2, s0;
	s3 =	smul.u32 $0x4F0, s3  }
0xb: {  	v2 =	vlaneseq.u32;
	s23 =	simm.s32 $0x9F80;
	[smem:$0x7FF] =	sst s6;
	s5 =	sshrl.u32 s0, $0x1  }
0xc: {  	v6 =	vmul.u32 $0x10, v2;
	s0 =	ssub.s32 s0, s5;
	s4 =	sadd.s32 s4, s1;
	s1 =	sadd.s32 s1, s3  }
0xd: {  	vm0 =	vmmov $0xffff;
	v1 =	vshrl.u32 v2, $0x3;
	v0 =	vand.u32 $0x7, v2;
	_ =	strace $0x80000047;
	s0 =	smax.u32 s0, $0x1;
	[dreg:$0x3] =	wrdreg s1  }
0xe: {  	s24 =	simm.s32 $0x1;
	v2 =	vor.u32 $0x8, v2;
	v1 =	vmul.u32 $0x8, v1;
	v3 =	vor.u32 $0xF, v6;
	s31 =	sadd.s32 $0x9E00, s4;
	[dreg:$0x5] =	wrdreg s0  }
0xf: {  	s25 =	simm.s32 $0xA780;
	s28 =	simm.s32 $0x0;
	v4 =	vor.u32 $0x10F, v6;
	v5 =	vor.u32 $0x20F, v6;
	v6 =	vor.u32 $0x30F, v6;
	[dreg:$0x4] =	wrdreg s31  }
.LBB2_1:
0x10: {  	s0 =	rddreg [dreg:$0x3]  }
0x11: {  	[tilespmem:s6], [sflag:$0x2] =	stream.linear.gather [hbm4b:s0+s6], $0x2780, $0x38;
	[tilespmem:$0xBF80] =	vst v63  }
0x12: {  	_ =	swait.ge [sflag:s7], $0x2780  }
0x13: {  	[sflag:s7] =	ssyncset.done $0x0  }
0x14: {  	s29 =	simm.s32 $0x0;
	[sflag:s7] =	ssyncadd.s32 $0xFFFFD880  }
.LBB2_2:
0x15: {  	s0 =	sshll.u32 s29, $0x7  }
0x16: {  	s0 =	sand.u32 $0x3FFFFF80, s0  }
0x17: {  	v7 =	vld [tilespmem:s0+$0x0];
	_ =	sdelay $0x4  }
0x18: {  	v8 =	vshll.u32 v7, $0x1  }
0x19: {  	v7 =	vand.u32 $0x7, v7;
	v8 =	vand.u32 $0xFFFFFFF0, v8  }
0x1a: {  	v7 =	vor.u32 v7, v8  }
0x1b: {  	v8 =	vperm.xlane v7, v0;
	_ =	sdelay $0x1  }
0x1c: {  	v7 =	vperm.xlane v7, v2;
	v8 =	vadd.s32 v1, v8;
	_ =	sdelay $0x1  }
0x1d: {  	v7 =	vadd.s32 v1, v7;
	_ =	sdelay $0x1  }
0x1e: {  	s30 =	simm.s32 $0x0  }
0x1f: {  	[tilespmem:s8], [sflag:$0x1] =	stream.indirect_vreg.gather [hbm4b:s2+s30], $0x80, v8, vm0, $0xb8;
	[tilespmem:$0xBF80] =	vst v63  }
0x20: {  	_ = 	snop  }
0x21: {  	[tilespmem:s9], [sflag:$0x1] =	stream.indirect_vreg.gather [hbm4b:s2+s30], $0x80, v7, vm0, $0xb8;
	[tilespmem:$0xBF80] =	vst v63  }
0x22: {  	v7 =	vld [tilespmem:s0+$0x10];
	_ =	sdelay $0x4  }
0x23: {  	v8 =	vshll.u32 v7, $0x1  }
0x24: {  	v7 =	vand.u32 $0x7, v7;
	v8 =	vand.u32 $0xFFFFFFF0, v8  }
0x25: {  	v7 =	vor.u32 v7, v8  }
0x26: {  	v8 =	vperm.xlane v7, v0;
	_ =	sdelay $0x1  }
0x27: {  	v7 =	vperm.xlane v7, v2;
	v8 =	vadd.s32 v1, v8;
	_ =	sdelay $0x1  }
0x28: {  	v7 =	vadd.s32 v1, v7;
	_ =	sdelay $0x2  }
0x29: {  	[tilespmem:s10], [sflag:$0x1] =	stream.indirect_vreg.gather [hbm4b:s2+s30], $0x80, v8, vm0, $0xb8;
	[tilespmem:$0xBF80] =	vst v63  }
0x2a: {  	_ = 	snop  }
0x2b: {  	[tilespmem:s11], [sflag:$0x1] =	stream.indirect_vreg.gather [hbm4b:s2+s30], $0x80, v7, vm0, $0xb8;
	[tilespmem:$0xBF80] =	vst v63  }
0x2c: {  	v7 =	vld [tilespmem:s0+$0x20];
	_ =	sdelay $0x4  }
0x2d: {  	v8 =	vshll.u32 v7, $0x1  }
0x2e: {  	v7 =	vand.u32 $0x7, v7;
	v8 =	vand.u32 $0xFFFFFFF0, v8  }
0x2f: {  	v7 =	vor.u32 v7, v8  }
0x30: {  	v8 =	vperm.xlane v7, v0;
	_ =	sdelay $0x1  }
0x31: {  	v7 =	vperm.xlane v7, v2;
	v8 =	vadd.s32 v1, v8;
	_ =	sdelay $0x1  }
0x32: {  	v7 =	vadd.s32 v1, v7;
	_ =	sdelay $0x2  }
0x33: {  	[tilespmem:s12], [sflag:$0x1] =	stream.indirect_vreg.gather [hbm4b:s2+s30], $0x80, v8, vm0, $0xb8;
	[tilespmem:$0xBF80] =	vst v63  }
0x34: {  	_ = 	snop  }
0x35: {  	[tilespmem:s13], [sflag:$0x1] =	stream.indirect_vreg.gather [hbm4b:s2+s30], $0x80, v7, vm0, $0xb8;
	[tilespmem:$0xBF80] =	vst v63  }
0x36: {  	v7 =	vld [tilespmem:s0+$0x30];
	_ =	sdelay $0x4  }
0x37: {  	v8 =	vshll.u32 v7, $0x1  }
0x38: {  	v7 =	vand.u32 $0x7, v7;
	v8 =	vand.u32 $0xFFFFFFF0, v8  }
0x39: {  	v7 =	vor.u32 v7, v8  }
0x3a: {  	v8 =	vperm.xlane v7, v0;
	_ =	sdelay $0x1  }
0x3b: {  	v7 =	vperm.xlane v7, v2;
	v8 =	vadd.s32 v1, v8;
	_ =	sdelay $0x1  }
0x3c: {  	v7 =	vadd.s32 v1, v7;
	_ =	sdelay $0x2  }
0x3d: {  	[tilespmem:s14], [sflag:$0x1] =	stream.indirect_vreg.gather [hbm4b:s2+s30], $0x80, v8, vm0, $0xb8;
	[tilespmem:$0xBF80] =	vst v63  }
0x3e: {  	_ = 	snop  }
0x3f: {  	[tilespmem:s15], [sflag:$0x1] =	stream.indirect_vreg.gather [hbm4b:s2+s30], $0x80, v7, vm0, $0xb8;
	[tilespmem:$0xBF80] =	vst v63  }
0x40: {  	v7 =	vld [tilespmem:s0+$0x40];
	_ =	sdelay $0x4  }
0x41: {  	v8 =	vshll.u32 v7, $0x1  }
0x42: {  	v7 =	vand.u32 $0x7, v7;
	v8 =	vand.u32 $0xFFFFFFF0, v8  }
0x43: {  	v7 =	vor.u32 v7, v8  }
0x44: {  	v8 =	vperm.xlane v7, v0;
	_ =	sdelay $0x1  }
0x45: {  	v7 =	vperm.xlane v7, v2;
	v8 =	vadd.s32 v1, v8;
	_ =	sdelay $0x1  }
0x46: {  	v7 =	vadd.s32 v1, v7;
	_ =	sdelay $0x2  }
0x47: {  	[tilespmem:s16], [sflag:$0x1] =	stream.indirect_vreg.gather [hbm4b:s2+s30], $0x80, v8, vm0, $0xb8;
	[tilespmem:$0xBF80] =	vst v63  }
0x48: {  	_ = 	snop  }
0x49: {  	[tilespmem:s17], [sflag:$0x1] =	stream.indirect_vreg.gather [hbm4b:s2+s30], $0x80, v7, vm0, $0xb8;
	[tilespmem:$0xBF80] =	vst v63  }
0x4a: {  	v7 =	vld [tilespmem:s0+$0x50];
	_ =	sdelay $0x4  }
0x4b: {  	v8 =	vshll.u32 v7, $0x1  }
0x4c: {  	v7 =	vand.u32 $0x7, v7;
	v8 =	vand.u32 $0xFFFFFFF0, v8  }
0x4d: {  	v7 =	vor.u32 v7, v8  }
0x4e: {  	v8 =	vperm.xlane v7, v0;
	_ =	sdelay $0x1  }
0x4f: {  	v7 =	vperm.xlane v7, v2;
	v8 =	vadd.s32 v1, v8;
	_ =	sdelay $0x1  }
0x50: {  	v7 =	vadd.s32 v1, v7;
	_ =	sdelay $0x2  }
0x51: {  	[tilespmem:s18], [sflag:$0x1] =	stream.indirect_vreg.gather [hbm4b:s2+s30], $0x80, v8, vm0, $0xb8;
	[tilespmem:$0xBF80] =	vst v63  }
0x52: {  	_ = 	snop  }
0x53: {  	[tilespmem:s19], [sflag:$0x1] =	stream.indirect_vreg.gather [hbm4b:s2+s30], $0x80, v7, vm0, $0xb8;
	[tilespmem:$0xBF80] =	vst v63  }
0x54: {  	v7 =	vld [tilespmem:s0+$0x60];
	_ =	sdelay $0x4  }
0x55: {  	v8 =	vshll.u32 v7, $0x1  }
0x56: {  	v7 =	vand.u32 $0x7, v7;
	v8 =	vand.u32 $0xFFFFFFF0, v8  }
0x57: {  	v7 =	vor.u32 v7, v8  }
0x58: {  	v8 =	vperm.xlane v7, v0;
	_ =	sdelay $0x1  }
0x59: {  	v7 =	vperm.xlane v7, v2;
	v8 =	vadd.s32 v1, v8;
	_ =	sdelay $0x1  }
0x5a: {  	v7 =	vadd.s32 v1, v7;
	_ =	sdelay $0x2  }
0x5b: {  	[tilespmem:s20], [sflag:$0x1] =	stream.indirect_vreg.gather [hbm4b:s2+s30], $0x80, v8, vm0, $0xb8;
	[tilespmem:$0xBF80] =	vst v63  }
0x5c: {  	_ = 	snop  }
0x5d: {  	[tilespmem:s21], [sflag:$0x1] =	stream.indirect_vreg.gather [hbm4b:s2+s30], $0x80, v7, vm0, $0xb8;
	[tilespmem:$0xBF80] =	vst v63  }
0x5e: {  	v7 =	vld [tilespmem:s0+$0x70];
	_ =	sdelay $0x4  }
0x5f: {  	v8 =	vshll.u32 v7, $0x1  }
0x60: {  	v7 =	vand.u32 $0x7, v7;
	v8 =	vand.u32 $0xFFFFFFF0, v8  }
0x61: {  	v7 =	vor.u32 v7, v8  }
0x62: {  	v8 =	vperm.xlane v7, v0;
	_ =	sdelay $0x1  }
0x63: {  	v7 =	vperm.xlane v7, v2;
	v8 =	vadd.s32 v1, v8;
	_ =	sdelay $0x1  }
0x64: {  	v7 =	vadd.s32 v1, v7;
	_ =	sdelay $0x2  }
0x65: {  	[tilespmem:s22], [sflag:$0x1] =	stream.indirect_vreg.gather [hbm4b:s2+s30], $0x80, v8, vm0, $0xb8;
	[tilespmem:$0xBF80] =	vst v63  }
0x66: {  	_ = 	snop  }
0x67: {  	[tilespmem:s23], [sflag:$0x1] =	stream.indirect_vreg.gather [hbm4b:s2+s30], $0x80, v7, vm0, $0xb8;
	[tilespmem:$0xBF80] =	vst v63  }
0x68: {  	s4 =	sand.u32 $0x3800, s30;
	_ =	swait.ge [sflag:s24], $0x8000  }
0x69: {  	s1 =	sand.u32 $0x300, s30;
	s0 =	sadd.s32 $0x2780, s4;
	[sflag:s24] =	ssyncset.done $0x0  }
0x6a: {  	s1 =	sadd.s32 s1, s0;
	[sflag:s24] =	ssyncadd.s32 $0xFFFF8000  }
0x6b: {  	v7 =	vld [tilespmem:s1+$0x4010]  }
0x6c: {  	v8 =	vld [tilespmem:s1+$0x4000]  }
0x6d: {  	v9 =	vld [tilespmem:s1+$0x0]  }
0x6e: {  	v10 =	vld [tilespmem:s1+$0x10]  }
0x6f: {  	v11 =	vld [tilespmem:s1+$0x4020]  }
0x70: {  	v12 =	vld [tilespmem:s1+$0x20]  }
0x71: {  	v13 =	vld [tilespmem:s1+$0x4030]  }
0x72: {  	v14 =	vld [tilespmem:s1+$0x30]  }
0x73: {  	v35 =	vld [tilespmem:s1+$0x4040];
	v8 =	vsub.f32 v9, v8;
	v7 =	vsub.f32 v10, v7  }
0x74: {  	v36 =	vld [tilespmem:s1+$0x40]  }
0x75: {  	v37 =	vld [tilespmem:s1+$0x4050];
	v11 =	vsub.f32 v12, v11;
	v8 =	vmul.f32 v8, v8;
	v7 =	vmul.f32 v7, v7  }
0x76: {  	v15 =	vld [tilespmem:s1+$0x50]  }
0x77: {  	v39 =	vld [tilespmem:s1+$0x4060];
	v38 =	vsub.f32 v14, v13;
	v7 =	vadd.f32 v7, v8;
	v8 =	vmul.f32 v11, v11  }
0x78: {  	v40 =	vld [tilespmem:s1+$0x60]  }
0x79: {  	v41 =	vld [tilespmem:s1+$0x4070];
	v9 =	vsub.f32 v36, v35;
	v7 =	vadd.f32 v8, v7;
	v8 =	vmul.f32 v38, v38  }
0x7a: {  	v42 =	vld [tilespmem:s1+$0x70]  }
0x7b: {  	v44 =	vld [tilespmem:s1+$0x4400];
	v43 =	vsub.f32 v15, v37;
	v7 =	vadd.f32 v8, v7;
	v8 =	vmul.f32 v9, v9  }
0x7c: {  	v45 =	vld [tilespmem:s1+$0x400]  }
0x7d: {  	v47 =	vld [tilespmem:s1+$0x4410];
	v46 =	vsub.f32 v40, v39;
	v7 =	vadd.f32 v8, v7;
	v8 =	vmul.f32 v43, v43  }
0x7e: {  	v48 =	vld [tilespmem:s1+$0x410]  }
0x7f: {  	v50 =	vld [tilespmem:s1+$0x4420];
	v49 =	vsub.f32 v42, v41;
	v7 =	vadd.f32 v8, v7;
	v8 =	vmul.f32 v46, v46  }
0x80: {  	v51 =	vld [tilespmem:s1+$0x420]  }
0x81: {  	v53 =	vld [tilespmem:s1+$0x4430];
	v52 =	vsub.f32 v45, v44;
	v7 =	vadd.f32 v8, v7;
	v8 =	vmul.f32 v49, v49  }
0x82: {  	v54 =	vld [tilespmem:s1+$0x430]  }
0x83: {  	v56 =	vld [tilespmem:s1+$0x4440];
	v55 =	vsub.f32 v48, v47;
	v7 =	vadd.f32 v8, v7;
	v8 =	vmul.f32 v52, v52  }
0x84: {  	v57 =	vld [tilespmem:s1+$0x440]  }
0x85: {  	v59 =	vld [tilespmem:s1+$0x4450];
	v58 =	vsub.f32 v51, v50;
	v7 =	vadd.f32 v8, v7;
	v8 =	vmul.f32 v55, v55  }
0x86: {  	v60 =	vld [tilespmem:s1+$0x450]  }
0x87: {  	v62 =	vld [tilespmem:s1+$0x4460];
	v61 =	vsub.f32 v54, v53;
	v7 =	vadd.f32 v8, v7;
	v8 =	vmul.f32 v58, v58  }
0x88: {  	v63 =	vld [tilespmem:s1+$0x460]  }
0x89: {  	v17 =	vld [tilespmem:s1+$0x4470];
	v16 =	vsub.f32 v57, v56;
	v7 =	vadd.f32 v8, v7;
	v8 =	vmul.f32 v61, v61  }
0x8a: {  	v18 =	vld [tilespmem:s1+$0x470]  }
0x8b: {  	v19 =	vsub.f32 v60, v59;
	v7 =	vadd.f32 v8, v7;
	v8 =	vmul.f32 v16, v16;
	_ =	sdelay $0x1  }
0x8c: {  	v20 =	vsub.f32 v63, v62;
	v7 =	vadd.f32 v8, v7;
	v8 =	vmul.f32 v19, v19;
	_ =	sdelay $0x1  }
0x8d: {  	v21 =	vsub.f32 v18, v17;
	v7 =	vadd.f32 v8, v7;
	v8 =	vmul.f32 v20, v20;
	_ =	sdelay $0x1  }
0x8e: {  	v7 =	vadd.f32 v8, v7;
	v8 =	vmul.f32 v21, v21;
	_ =	sdelay $0x1  }
0x8f: {  	v7 =	vadd.f32 v8, v7;
	_ =	sdelay $0x1  }
0x90: {  	(xrf2) =	vadd.scan.msk.f32 $0xffff, v7;
	_ =	sdelay $0x8  }
0x91: {  	s31 =	simm.s32 $0xA790;
	s5 =	simm.s32 $0x80  }
0x92: {  	s3 =	simm.s32 $0x4100;
	s4 =	simm.s32 $0x2080;
	s1 =	sand.u32 $0x380, s5;
	v7, _, _ =	vpop (xrf2)  }
0x93: {  	s6 =	sand.u32 $0x7800, s3;
	s26 =	sand.u32 $0x380, s4;
	s0 =	sadd.s32 s1, s0;
	[tilespmem:s31+$0xFFFFFFF0] =	vst v7  }
0x94: {  	s1 =	sor.u32 s26, s6;
	v7 =	vld [tilespmem:s0+$0x0]  }
0x95: {  	v8 =	vld [tilespmem:s1+$0x2790]  }
0x96: {  	v22 =	vld [tilespmem:s0+$0x10]  }
0x97: {  	v23 =	vld [tilespmem:s1+$0x2780]  }
0x98: {  	v24 =	vld [tilespmem:s1+$0x27A0]  }
0x99: {  	v25 =	vld [tilespmem:s0+$0x20]  }
0x9a: {  	v26 =	vld [tilespmem:s1+$0x27B0]  }
0x9b: {  	v27 =	vld [tilespmem:s0+$0x30]  }
0x9c: {  	v28 =	vld [tilespmem:s1+$0x27C0];
	v8 =	vsub.f32 v22, v8;
	v7 =	vsub.f32 v7, v23  }
0x9d: {  	v29 =	vld [tilespmem:s0+$0x40]  }
0x9e: {  	v30 =	vld [tilespmem:s1+$0x27D0];
	v11 =	vsub.f32 v25, v24;
	v7 =	vmul.f32 v7, v7;
	v8 =	vmul.f32 v8, v8  }
0x9f: {  	v31 =	vld [tilespmem:s0+$0x50]  }
0xa0: {  	v33 =	vld [tilespmem:s1+$0x27E0];
	v32 =	vsub.f32 v27, v26;
	v7 =	vadd.f32 v8, v7;
	v8 =	vmul.f32 v11, v11  }
0xa1: {  	v34 =	vld [tilespmem:s0+$0x60]  }
0xa2: {  	v35 =	vld [tilespmem:s1+$0x27F0];
	v9 =	vsub.f32 v29, v28;
	v7 =	vadd.f32 v8, v7;
	v8 =	vmul.f32 v32, v32  }
0xa3: {  	v36 =	vld [tilespmem:s0+$0x70]  }
0xa4: {  	v38 =	vld [tilespmem:s1+$0x2B80];
	v37 =	vsub.f32 v31, v30;
	v7 =	vadd.f32 v8, v7;
	v8 =	vmul.f32 v9, v9  }
0xa5: {  	v39 =	vld [tilespmem:s0+$0x400]  }
0xa6: {  	v41 =	vld [tilespmem:s1+$0x2B90];
	v40 =	vsub.f32 v34, v33;
	v7 =	vadd.f32 v8, v7;
	v8 =	vmul.f32 v37, v37  }
0xa7: {  	v42 =	vld [tilespmem:s0+$0x410]  }
0xa8: {  	v44 =	vld [tilespmem:s1+$0x2BA0];
	v43 =	vsub.f32 v36, v35;
	v7 =	vadd.f32 v8, v7;
	v8 =	vmul.f32 v40, v40  }
0xa9: {  	v45 =	vld [tilespmem:s0+$0x420]  }
0xaa: {  	v47 =	vld [tilespmem:s1+$0x2BB0];
	v46 =	vsub.f32 v39, v38;
	v7 =	vadd.f32 v8, v7;
	v8 =	vmul.f32 v43, v43  }
0xab: {  	v48 =	vld [tilespmem:s0+$0x430]  }
0xac: {  	v50 =	vld [tilespmem:s1+$0x2BC0];
	v49 =	vsub.f32 v42, v41;
	v7 =	vadd.f32 v8, v7;
	v8 =	vmul.f32 v46, v46  }
0xad: {  	v51 =	vld [tilespmem:s0+$0x440]  }
0xae: {  	v53 =	vld [tilespmem:s1+$0x2BD0];
	v52 =	vsub.f32 v45, v44;
	v7 =	vadd.f32 v8, v7;
	v8 =	vmul.f32 v49, v49  }
0xaf: {  	v54 =	vld [tilespmem:s0+$0x450]  }
0xb0: {  	v56 =	vld [tilespmem:s1+$0x2BE0];
	v55 =	vsub.f32 v48, v47;
	v7 =	vadd.f32 v8, v7;
	v8 =	vmul.f32 v52, v52  }
0xb1: {  	v57 =	vld [tilespmem:s0+$0x460]  }
0xb2: {  	v59 =	vld [tilespmem:s1+$0x2BF0];
	v58 =	vsub.f32 v51, v50;
	v7 =	vadd.f32 v8, v7;
	v8 =	vmul.f32 v55, v55  }
0xb3: {  	v60 =	vld [tilespmem:s0+$0x470]  }
0xb4: {  	v61 =	vsub.f32 v54, v53;
	v7 =	vadd.f32 v8, v7;
	v8 =	vmul.f32 v58, v58;
	_ =	sdelay $0x1  }
0xb5: {  	v62 =	vsub.f32 v57, v56;
	v7 =	vadd.f32 v8, v7;
	v8 =	vmul.f32 v61, v61;
	_ =	sdelay $0x1  }
0xb6: {  	v63 =	vsub.f32 v60, v59;
	v7 =	vadd.f32 v8, v7;
	v8 =	vmul.f32 v62, v62;
	_ =	sdelay $0x1  }
0xb7: {  	v7 =	vadd.f32 v8, v7;
	v8 =	vmul.f32 v63, v63;
	_ =	sdelay $0x1  }
0xb8: {  	v7 =	vadd.f32 v8, v7;
	_ =	sdelay $0x1  }
0xb9: {  	(xrf2) =	vadd.scan.msk.f32 $0xffff, v7;
	_ =	sdelay $0x2  }
0xba: {  	s26 =	simm.s32 $0x200;
	s1 =	simm.s32 $0x0;
	s0 =	simm.s32 $0xA790  }
.LBB2_3:
0xbb: {  	s1 =	sadd.s32 $0x2, s1;
	s31 =	sadd.s32 $0x20, s31;
	s30 =	sadd.s32 $0x100, s30  }
0xbc: {  	p0 =	slt.u32 s1, $0x3E;
	_ =	sdelay $0x2  }
0xbd: {  	s3 =	sand.u32 $0x3800, s26  }
0xbe: {  	s4 =	sand.u32 $0x300, s30;
	s3 =	sadd.s32 $0x2780, s3  }
0xbf: {  	s4 =	sadd.s32 s4, s3;
	v7, _, _ =	vpop (xrf2)  }
0xc0: {  	[tilespmem:s0+$0x0] =	vst v7;
	s0 =	smov.u32 s31  }
0xc1: {  	v7 =	vld [tilespmem:s4+$0x4010]  }
0xc2: {  	v8 =	vld [tilespmem:s4+$0x4000]  }
0xc3: {  	v9 =	vld [tilespmem:s4+$0x0]  }
0xc4: {  	v10 =	vld [tilespmem:s4+$0x10]  }
0xc5: {  	v11 =	vld [tilespmem:s4+$0x4020]  }
0xc6: {  	v12 =	vld [tilespmem:s4+$0x20]  }
0xc7: {  	v13 =	vld [tilespmem:s4+$0x4030]  }
0xc8: {  	v14 =	vld [tilespmem:s4+$0x30]  }
0xc9: {  	v8 =	vsub.f32 v9, v8;
	v7 =	vsub.f32 v10, v7;
	v9 =	vld [tilespmem:s4+$0x4040]  }
0xca: {  	v10 =	vld [tilespmem:s4+$0x40]  }
0xcb: {  	v8 =	vmul.f32 v8, v8;
	v7 =	vmul.f32 v7, v7;
	v11 =	vsub.f32 v12, v11;
	v12 =	vld [tilespmem:s4+$0x4050]  }
0xcc: {  	v15 =	vld [tilespmem:s4+$0x50]  }
0xcd: {  	v7 =	vadd.f32 v7, v8;
	v8 =	vmul.f32 v11, v11;
	v11 =	vsub.f32 v14, v13;
	v13 =	vld [tilespmem:s4+$0x4060]  }
0xce: {  	v14 =	vld [tilespmem:s4+$0x60]  }
0xcf: {  	v7 =	vadd.f32 v8, v7;
	v8 =	vmul.f32 v11, v11;
	v9 =	vsub.f32 v10, v9;
	v10 =	vld [tilespmem:s4+$0x4070]  }
0xd0: {  	v11 =	vld [tilespmem:s4+$0x70]  }
0xd1: {  	v7 =	vadd.f32 v8, v7;
	v8 =	vmul.f32 v9, v9;
	v9 =	vsub.f32 v15, v12;
	v12 =	vld [tilespmem:s4+$0x4400]  }
0xd2: {  	v15 =	vld [tilespmem:s4+$0x400]  }
0xd3: {  	v7 =	vadd.f32 v8, v7;
	v8 =	vmul.f32 v9, v9;
	v9 =	vsub.f32 v14, v13;
	v13 =	vld [tilespmem:s4+$0x4410]  }
0xd4: {  	v14 =	vld [tilespmem:s4+$0x410]  }
0xd5: {  	v7 =	vadd.f32 v8, v7;
	v8 =	vmul.f32 v9, v9;
	v9 =	vsub.f32 v11, v10;
	v10 =	vld [tilespmem:s4+$0x4420]  }
0xd6: {  	v11 =	vld [tilespmem:s4+$0x420]  }
0xd7: {  	v7 =	vadd.f32 v8, v7;
	v8 =	vmul.f32 v9, v9;
	v9 =	vsub.f32 v15, v12;
	v12 =	vld [tilespmem:s4+$0x4430]  }
0xd8: {  	v15 =	vld [tilespmem:s4+$0x430]  }
0xd9: {  	v7 =	vadd.f32 v8, v7;
	v8 =	vmul.f32 v9, v9;
	v9 =	vsub.f32 v14, v13;
	v13 =	vld [tilespmem:s4+$0x4440]  }
0xda: {  	v14 =	vld [tilespmem:s4+$0x440]  }
0xdb: {  	v7 =	vadd.f32 v8, v7;
	v8 =	vmul.f32 v9, v9;
	v9 =	vsub.f32 v11, v10;
	v10 =	vld [tilespmem:s4+$0x4450]  }
0xdc: {  	v11 =	vld [tilespmem:s4+$0x450]  }
0xdd: {  	v7 =	vadd.f32 v8, v7;
	v8 =	vmul.f32 v9, v9;
	v9 =	vsub.f32 v15, v12;
	v12 =	vld [tilespmem:s4+$0x4460]  }
0xde: {  	v15 =	vld [tilespmem:s4+$0x460]  }
0xdf: {  	v7 =	vadd.f32 v8, v7;
	v8 =	vmul.f32 v9, v9;
	v9 =	vsub.f32 v14, v13;
	v13 =	vld [tilespmem:s4+$0x4470]  }
0xe0: {  	v14 =	vld [tilespmem:s4+$0x470]  }
0xe1: {  	v7 =	vadd.f32 v8, v7;
	v8 =	vmul.f32 v9, v9;
	v9 =	vsub.f32 v11, v10;
	_ =	sdelay $0x1  }
0xe2: {  	v7 =	vadd.f32 v8, v7;
	v8 =	vmul.f32 v9, v9;
	v9 =	vsub.f32 v15, v12;
	_ =	sdelay $0x1  }
0xe3: {  	v7 =	vadd.f32 v8, v7;
	v8 =	vmul.f32 v9, v9;
	v9 =	vsub.f32 v14, v13;
	_ =	sdelay $0x1  }
0xe4: {  	v7 =	vadd.f32 v8, v7;
	v8 =	vmul.f32 v9, v9;
	_ =	sdelay $0x1  }
0xe5: {  	v7 =	vadd.f32 v8, v7;
	_ =	sdelay $0x1  }
0xe6: {  	(xrf2) =	vadd.scan.msk.f32 $0xffff, v7;
	_ =	sdelay $0x8  }
0xe7: {  	s4 =	sadd.s32 $0x80, s30  }
0xe8: {  	s5 =	sadd.s32 $0x4100, s26;
	s6 =	sadd.s32 $0x2080, s30;
	s4 =	sand.u32 $0x380, s4;
	v7, _, _ =	vpop (xrf2)  }
0xe9: {  	s3 =	sadd.s32 s4, s3;
	s4 =	sand.u32 $0x7800, s5;
	s5 =	sand.u32 $0x380, s6;
	[tilespmem:s31+$0xFFFFFFF0] =	vst v7  }
0xea: {  	s4 =	sor.u32 s5, s4;
	v7 =	vld [tilespmem:s3+$0x0]  }
0xeb: {  	v8 =	vld [tilespmem:s4+$0x2790]  }
0xec: {  	v9 =	vld [tilespmem:s3+$0x10]  }
0xed: {  	v10 =	vld [tilespmem:s4+$0x2780]  }
0xee: {  	v11 =	vld [tilespmem:s4+$0x27A0]  }
0xef: {  	v12 =	vld [tilespmem:s3+$0x20]  }
0xf0: {  	v13 =	vld [tilespmem:s4+$0x27B0]  }
0xf1: {  	v8 =	vsub.f32 v9, v8;
	v9 =	vld [tilespmem:s3+$0x30]  }
0xf2: {  	v7 =	vsub.f32 v7, v10;
	v10 =	vld [tilespmem:s4+$0x27C0]  }
0xf3: {  	v14 =	vld [tilespmem:s3+$0x40]  }
0xf4: {  	v8 =	vmul.f32 v8, v8;
	v7 =	vmul.f32 v7, v7;
	v11 =	vsub.f32 v12, v11;
	v12 =	vld [tilespmem:s4+$0x27D0]  }
0xf5: {  	v15 =	vld [tilespmem:s3+$0x50]  }
0xf6: {  	v7 =	vadd.f32 v8, v7;
	v8 =	vmul.f32 v11, v11;
	v9 =	vsub.f32 v9, v13;
	v11 =	vld [tilespmem:s4+$0x27E0]  }
0xf7: {  	v13 =	vld [tilespmem:s3+$0x60]  }
0xf8: {  	v7 =	vadd.f32 v8, v7;
	v8 =	vmul.f32 v9, v9;
	v9 =	vsub.f32 v14, v10;
	v10 =	vld [tilespmem:s4+$0x27F0]  }
0xf9: {  	v14 =	vld [tilespmem:s3+$0x70]  }
0xfa: {  	v7 =	vadd.f32 v8, v7;
	v8 =	vmul.f32 v9, v9;
	v9 =	vsub.f32 v15, v12;
	v12 =	vld [tilespmem:s4+$0x2B80]  }
0xfb: {  	v15 =	vld [tilespmem:s3+$0x400]  }
0xfc: {  	v7 =	vadd.f32 v8, v7;
	v8 =	vmul.f32 v9, v9;
	v9 =	vsub.f32 v13, v11;
	v11 =	vld [tilespmem:s4+$0x2B90]  }
0xfd: {  	v13 =	vld [tilespmem:s3+$0x410]  }
0xfe: {  	v7 =	vadd.f32 v8, v7;
	v8 =	vmul.f32 v9, v9;
	v9 =	vsub.f32 v14, v10;
	v10 =	vld [tilespmem:s4+$0x2BA0]  }
0xff: {  	v14 =	vld [tilespmem:s3+$0x420]  }
0x100: {  	v7 =	vadd.f32 v8, v7;
	v8 =	vmul.f32 v9, v9;
	v9 =	vsub.f32 v15, v12;
	v12 =	vld [tilespmem:s4+$0x2BB0]  }
0x101: {  	v15 =	vld [tilespmem:s3+$0x430]  }
0x102: {  	v7 =	vadd.f32 v8, v7;
	v8 =	vmul.f32 v9, v9;
	v9 =	vsub.f32 v13, v11;
	v11 =	vld [tilespmem:s4+$0x2BC0]  }
0x103: {  	v13 =	vld [tilespmem:s3+$0x440]  }
0x104: {  	v7 =	vadd.f32 v8, v7;
	v8 =	vmul.f32 v9, v9;
	v9 =	vsub.f32 v14, v10;
	v10 =	vld [tilespmem:s4+$0x2BD0]  }
0x105: {  	v14 =	vld [tilespmem:s3+$0x450]  }
0x106: {  	v7 =	vadd.f32 v8, v7;
	v8 =	vmul.f32 v9, v9;
	v9 =	vsub.f32 v15, v12;
	v12 =	vld [tilespmem:s4+$0x2BE0]  }
0x107: {  	v15 =	vld [tilespmem:s3+$0x460]  }
0x108: {  	v7 =	vadd.f32 v8, v7;
	v8 =	vmul.f32 v9, v9;
	v9 =	vsub.f32 v13, v11;
	v11 =	vld [tilespmem:s4+$0x2BF0]  }
0x109: {  	v13 =	vld [tilespmem:s3+$0x470]  }
0x10a: {  	v7 =	vadd.f32 v8, v7;
	v8 =	vmul.f32 v9, v9;
	v9 =	vsub.f32 v14, v10;
	_ =	sdelay $0x1  }
0x10b: {  	v7 =	vadd.f32 v8, v7;
	v8 =	vmul.f32 v9, v9;
	v9 =	vsub.f32 v15, v12;
	_ =	sdelay $0x1  }
0x10c: {  	v7 =	vadd.f32 v8, v7;
	v8 =	vmul.f32 v9, v9;
	v9 =	vsub.f32 v13, v11;
	_ =	sdelay $0x1  }
0x10d: {  	v7 =	vadd.f32 v8, v7;
	v8 =	vmul.f32 v9, v9;
	_ =	sdelay $0x1  }
0x10e: {  	v7 =	vadd.f32 v8, v7  }
.Ltmp0:
0x10f: {  	(pc) =	sbr.rel @p0 .LBB2_3-.Ltmp0, $2  }
0x110: {  	(xrf2) =	vadd.scan.msk.f32 $0xffff, v7;
	_ =	sdelay $0x2  }
0x111: {  	s26 =	sadd.s32 $0x200, s26  }
0x112: {  	_ =	sdelay $0x5  }
0x113: {  	v7, _, _ =	vpop (xrf2)  }
0x114: {  	[tilespmem:s0+$0x0] =	vst v7  }
0x115: {  	v7 =	vld.idx.msk [tilespmem:v3+s25+$0x0], $0xffff;
	_ =	sdelay $0x4  }
0x116: {  	v7 =	vadd.f32 $-2.000000000e+00, v7;
	_ =	sdelay $0x1  }
0x117: {  	v7 =	vmul.f32 $1.442695020e+00, v7;
	_ =	sdelay $0x1  }
0x118: {  	(erf) = vpow2.f32 v7;
	_ =	sdelay $0x8  }
0x119: {  	v7 =	vpop (erf)  }
0x11a: {  	v7 =	vadd.f32 $1.000000000e+00, v7;
	_ =	sdelay $0x1  }
0x11b: {  	(erf) = vrcp.f32 v7;
	_ =	sdelay $0x7  }
0x11c: {  	s31 =	sshll.u32 s29, $0x6  }
0x11d: {  	s0 =	sand.u32 $0x3FFFFFC0, s31;
	v7 =	vpop (erf)  }
0x11e: {  	[tilespmem:s0+$0xAB80] =	vst v7  }
0x11f: {  	v7 =	vld.idx.msk [tilespmem:v4+s25+$0x0], $0xffff;
	_ =	sdelay $0x4  }
0x120: {  	v7 =	vadd.f32 $-2.000000000e+00, v7;
	_ =	sdelay $0x1  }
0x121: {  	v7 =	vmul.f32 $1.442695020e+00, v7;
	_ =	sdelay $0x1  }
0x122: {  	(erf) = vpow2.f32 v7;
	_ =	sdelay $0x8  }
0x123: {  	v7 =	vpop (erf)  }
0x124: {  	v7 =	vadd.f32 $1.000000000e+00, v7;
	_ =	sdelay $0x1  }
0x125: {  	(erf) = vrcp.f32 v7;
	_ =	sdelay $0x8  }
0x126: {  	v7 =	vpop (erf)  }
0x127: {  	[tilespmem:s0+$0xAB90] =	vst v7  }
0x128: {  	v7 =	vld.idx.msk [tilespmem:v5+s25+$0x0], $0xffff;
	_ =	sdelay $0x4  }
0x129: {  	v7 =	vadd.f32 $-2.000000000e+00, v7;
	_ =	sdelay $0x1  }
0x12a: {  	v7 =	vmul.f32 $1.442695020e+00, v7;
	_ =	sdelay $0x1  }
0x12b: {  	(erf) = vpow2.f32 v7;
	_ =	sdelay $0x8  }
0x12c: {  	v7 =	vpop (erf)  }
0x12d: {  	v7 =	vadd.f32 $1.000000000e+00, v7;
	_ =	sdelay $0x1  }
0x12e: {  	(erf) = vrcp.f32 v7;
	_ =	sdelay $0x8  }
0x12f: {  	v7 =	vpop (erf)  }
0x130: {  	[tilespmem:s0+$0xABA0] =	vst v7  }
0x131: {  	v7 =	vld.idx.msk [tilespmem:v6+s25+$0x0], $0xffff;
	_ =	sdelay $0x4  }
0x132: {  	v7 =	vadd.f32 $-2.000000000e+00, v7;
	_ =	sdelay $0x1  }
0x133: {  	v7 =	vmul.f32 $1.442695020e+00, v7;
	_ =	sdelay $0x1  }
0x134: {  	(erf) = vpow2.f32 v7;
	_ =	sdelay $0x8  }
0x135: {  	v7 =	vpop (erf)  }
0x136: {  	v7 =	vadd.f32 $1.000000000e+00, v7;
	_ =	sdelay $0x1  }
0x137: {  	(erf) = vrcp.f32 v7;
	_ =	sdelay $0x3  }
0x138: {  	s29 =	sadd.s32 $0x1, s29  }
0x139: {  	p0 =	seq.s32 s29, $0x4F  }
.Ltmp1:
0x13a: {  	_ = 	snop;
	(pc) =	sbr.rel @!p0 .LBB2_2-.Ltmp1, $3  }
0x13b: {  	_ =	sdelay $0x1  }
0x13c: {  	v7 =	vpop (erf)  }
0x13d: {  	[tilespmem:s0+$0xABB0] =	vst v7  }
0x13e: {  	s6 =	simm.s32 $0x0;
	s0 =	rddreg [dreg:$0x4];
	s1 =	simm.s32 $0xAB80  }
0x13f: {  	[hbm4b:s0+s6] =	stream.linear.scatter [tilespmem:s1], [sflag:$0x2], $0x13C0, $0x38;
	[tilespmem:$0xBF80] =	vst v63  }
0x140: {  	_ =	swait.ge [sflag:s7], $0x13C0  }
0x141: {  	s28 =	sadd.s32 $0x1, s28;
	s31 =	rddreg [dreg:$0x5]  }
0x142: {  	p0 =	sne.s32 s28, s31  }
.Ltmp2:
0x143: {  	_ = 	snop;
	(pc) =	sbr.rel @p0 .LBB2_1-.Ltmp2, $3  }
0x144: {  	_ =	sdelay $0x1  }
0x145: {  	[sflag:s7] =	ssyncset.done $0x0  }
0x146: {  	[sflag:s7] =	ssyncadd.s32 $0xFFFFEC40  }
0x147: {  	_ =	sfence.sel $0x180000  }
0x148: {  	[bflag:$0x0] =	sbarrier.arrive $0xFFFF  }
0x149: {  	_ =	strace $0x90000047  }
0x14a: {  	s0 =	stileid.u32;
	[bflag:$0x2] =	sbarrier.arrive $0xFFFF  }
0x14b: {  	p0 =	sne.s32 s0, $0x0;
	s0 =	rddreg [dreg:$0x2]  }
0x14c: {  	s0 =	sadd.s32 @!p0 $0x100000, s0  }
0x14d: {  	[sflag:s0] =	ssyncadd.tile.s32 @!p0 $0x1;
	_ =	shalt  }
.Lfunc_end2:
_tile_overlayer_lowered:
.L_overlay_start_2:
0x14e: {  	(tag) =	ssettag $0x2  }
0x14f: {  	s0 =	rddreg [dreg:$0x0];
	s2 =	stileid.u32  }
0x150: {  	s1 =	rddreg [dreg:$0x1];
	p0 =	sne.s32 s2, $0x0  }
0x151: {  	s3 =	rddreg [dreg:$0x2];
	[bflag:$0x3] =	sbarrier.arrive $0xFFFF;
	s2 =	simm.s32 @!p0 $0x1C02  }
0x152: {  	[timem:s3], [sflag:s2] =	dma.local @!p0 [hbm:s0], s1  }
0x153: {  	s0 =	simm.s32 @!p0 $0x2  }
0x154: {  	_ =	swait.ge @!p0 [sflag:s0], s1  }
0x155: {  	s1 =	ssub.s32 @!p0 $0x0, s1;
	[sflag:s0] =	ssyncset.done @!p0 $0x0  }
0x156: {  	[sflag:s0] =	ssyncadd.s32 @!p0 s1  }
0x157: {  	[bflag:$0x3] =	sbarrier.arrive $0xFFFF  }
0x158: {  	_ =	shalt  }

</sc_bundles>
